<compile_context>
chip_gen: v7x
topology: tpu7x:2x2x1
jax: 0.10.2.dev20260603
libtpu: 0.0.44.dev20260713+nightly
codegen_flags: <defaults>
</compile_context>

<pallas_src>
import functools
import math

import jax
import jax.numpy as jnp
from jax import lax
from jax.experimental import pallas as pl
from jax.experimental.pallas import tpu as pltpu
from jax.experimental.pallas import tpu_sc as plsc

D_MODEL = 1024
SCALE = math.sqrt(D_MODEL)
LANES = 16

_info = plsc.get_sparse_core_info()
NUM_CORES = _info.num_cores
NUM_SUBCORES = _info.num_subcores
NUM_WORKERS = NUM_CORES * NUM_SUBCORES


def _make_kernel(B: int):
    assert B % NUM_WORKERS == 0
    b_per_w = B // NUM_WORKERS
    CHUNK = 32
    NR = 3
    assert b_per_w % CHUNK == 0
    n_chunks = b_per_w // CHUNK
    assert n_chunks >= 4 and n_chunks % 2 == 0

    mesh = plsc.VectorSubcoreMesh(core_axis_name="c", subcore_axis_name="s")

    @functools.partial(
        pl.kernel,
        mesh=mesh,
        out_type=jax.ShapeDtypeStruct((B, D_MODEL), jnp.float32),
        scratch_types=[
            pltpu.VMEM((b_per_w,), jnp.int32),
            pltpu.VMEM((NR * CHUNK, D_MODEL), jnp.float32),
            pltpu.SemaphoreType.DMA,
            pltpu.SemaphoreType.DMA,
            pltpu.SemaphoreType.DMA,
            pltpu.SemaphoreType.DMA,
        ],
    )
    def emb_kernel(x_hbm, table_hbm, out_hbm, idx_v, ring, gs0, gs1, ws0, ws1):
        gsem = (gs0, gs1)
        wsem = (ws0, ws1)

        wid = lax.axis_index("s") * NUM_CORES + lax.axis_index("c")
        base = wid * b_per_w
        pltpu.sync_copy(x_hbm.at[pl.ds(base, b_per_w)], idx_v)

        def region_off(c):
            return lax.rem(c, NR) * CHUNK

        def start_gather(c, p):
            pltpu.async_copy(
                table_hbm.at[idx_v.at[pl.ds(c * CHUNK, CHUNK)]],
                ring.at[pl.ds(region_off(c), CHUNK)],
                gsem[p],
            )

        def wait_gather(p):
            pltpu.make_async_copy(
                table_hbm.at[idx_v.at[pl.ds(0, CHUNK)]],
                ring.at[pl.ds(0, CHUNK)],
                gsem[p],
            ).wait()

        def start_write(c, p):
            pltpu.async_copy(
                ring.at[pl.ds(region_off(c), CHUNK)],
                out_hbm.at[pl.ds(base + c * CHUNK, CHUNK)],
                wsem[p],
            )

        def wait_write(p):
            pltpu.make_async_copy(
                ring.at[pl.ds(0, CHUNK)],
                out_hbm.at[pl.ds(base, CHUNK)],
                wsem[p],
            ).wait()

        VPR = D_MODEL // LANES

        def scale(off):
            @plsc.parallel_loop(0, CHUNK * VPR, unroll=8)
            def _vec(i):
                r = off + lax.shift_right_logical(i, 6)
                col = pl.multiple_of(
                    lax.shift_left(lax.bitwise_and(i, VPR - 1), 4), LANES
                )
                sl = pl.ds(col, LANES)
                ring[r, sl] = ring[r, sl] * SCALE

        start_gather(0, 0)
        for c in range(2):
            p = c % 2
            start_gather(c + 1, 1 - p)
            wait_gather(p)
            scale(c * CHUNK)
            start_write(c, p)

        @pl.loop(2, n_chunks, step=2)
        def _main(j):
            for b in range(2):
                c = j + b
                p = b

                wait_write(p)

                @pl.when(c + 1 < n_chunks)
                def _launch_next():
                    start_gather(c + 1, 1 - p)

                wait_gather(p)
                scale(region_off(c))
                start_write(c, p)

        wait_write(0)
        wait_write(1)

    return emb_kernel


@jax.jit
def kernel(x, table):
    B = x.shape[0] * x.shape[1]
    flat_idx = x.reshape(B).astype(jnp.int32)
    out = _make_kernel(B)(flat_idx, table)
    return out.reshape(x.shape[0], x.shape[1], D_MODEL)

# --- scband reference (transcript-rebuilt; emitter-appended) ---
"""Pipeline reference for scband-input-embedding-20864951124546 (READ-ONLY COPY).

The authoritative reference and input builder live on the scoring server;
editing this copy changes nothing except your own understanding.
"""

import jax, jax.numpy as jnp
import numpy as np
import math

D_MODEL = 1024
VOCAB = 100000

def setup_inputs(seed: int = 0) -> dict:
    key = jax.random.key(seed)
    k1, k2 = jax.random.split(key)
    x = jax.random.randint(k1, (4, 4096), 0, VOCAB, dtype=jnp.int64 if jax.config.jax_enable_x64 else jnp.int32)
    table = jax.random.normal(k2, (VOCAB, D_MODEL), dtype=jnp.float32)
    return {"x": x, "table": table}

def reference(x, table):
    # nn.Embedding lookup followed by scale by sqrt(d_model)
    emb = jnp.take(table, x, axis=0)
    return emb * math.sqrt(D_MODEL)

if __name__ == "__main__":
    import jax
    _d = setup_inputs()
    print(jax.jit(kernel)(*tuple(_d.values())))

</pallas_src>

<mosaic_0001>
#map = affine_map<(d0, d1) -> (0)>
#map1 = affine_map<(d0, d1) -> (0, 0)>
module attributes {stable_mosaic.version = 14 : i64} {
  func.func @emb_kernel(%arg0: i32, %arg1: i32, %arg2: memref<16384xi32, #tpu.memory_space<hbm>>, %arg3: memref<100000x1024xf32, #tpu.memory_space<hbm>>, %arg4: memref<16384x1024xf32, #tpu.memory_space<hbm>>, %arg5: memref<512xi32, #tpu.memory_space<vmem>>, %arg6: memref<96x1024xf32, #tpu.memory_space<vmem>>, %arg7: memref<!tpu.dma_semaphore, #tpu.memory_space<semaphore_mem>>, %arg8: memref<!tpu.dma_semaphore, #tpu.memory_space<semaphore_mem>>, %arg9: memref<!tpu.dma_semaphore, #tpu.memory_space<semaphore_mem>>, %arg10: memref<!tpu.dma_semaphore, #tpu.memory_space<semaphore_mem>>) attributes {dimension_semantics = [#tpu.dimension_semantics<core_parallel>, #tpu.dimension_semantics<subcore_parallel>], iteration_bounds = array<i64: 2, 16>, scalar_prefetch = 0 : i64, scratch_operands = 6 : i64, tpu.core_type = #tpu.core_type<sc_vector_subcore>, window_params = [{transform_indices = #map}, {transform_indices = #map1}, {transform_indices = #map1}]} {
    %mul3A = arith.constant 2 : i32
    %mul3A_0 = arith.muli %arg1, %mul3A : i32
    %add3A = arith.addi %mul3A_0, %arg0 : i32
    %mul3A_1 = arith.constant 512 : i32
    %mul3A_2 = arith.muli %add3A, %mul3A_1 : i32
    "tpu.region"() ({
      %run_scoped3A = tpu.sem_alloc : memref<!tpu.dma_semaphore, #tpu.memory_space<semaphore_mem>>
      %dma_start3A_111 = tpu.memref_slice %arg2[%mul3A_2] : memref<16384xi32, #tpu.memory_space<hbm>> -> memref<512xi32, #tpu.memory_space<hbm>>
      %dma_start3A_112 = tpu.memref_slice %arg2[%mul3A_2] : memref<16384xi32, #tpu.memory_space<hbm>> -> memref<512xi32, #tpu.memory_space<hbm>>
      tpu.enqueue_dma source(%dma_start3A_112 : memref<512xi32, #tpu.memory_space<hbm>>) target(%arg5 : memref<512xi32, #tpu.memory_space<vmem>>) target_semaphore(%run_scoped3A : memref<!tpu.dma_semaphore, #tpu.memory_space<semaphore_mem>>)
      %dma_wait3A_113 = tpu.memref_slice %arg2[%mul3A_2] : memref<16384xi32, #tpu.memory_space<hbm>> -> memref<512xi32, #tpu.memory_space<hbm>>
      %dma_wait3A_114 = tpu.memref_slice %arg2[%mul3A_2] : memref<16384xi32, #tpu.memory_space<hbm>> -> memref<512xi32, #tpu.memory_space<hbm>>
      tpu.wait_dma2 semaphore(%run_scoped3A : memref<!tpu.dma_semaphore, #tpu.memory_space<semaphore_mem>>) src(%dma_wait3A_114 : memref<512xi32, #tpu.memory_space<hbm>>) dst(%arg5 : memref<512xi32, #tpu.memory_space<vmem>>)
      tpu.yield
    }) : () -> ()
    %rem3A = arith.constant 0 : i32
    %rem3A_3 = arith.constant 3 : i32
    %rem3A_4 = arith.remsi %rem3A, %rem3A_3 : i32
    %mul3A_5 = arith.constant 32 : i32
    %mul3A_6 = arith.muli %rem3A_4, %mul3A_5 : i32
    %dma_start3A = arith.constant 0 : i32
    %dma_start3A_7 = tpu.memref_slice %arg6[%mul3A_6, %dma_start3A] : memref<96x1024xf32, #tpu.memory_space<vmem>> -> memref<32x1024xf32, #tpu.memory_space<vmem>>
    %dma_start3A_8 = arith.constant 0 : i32
    %dma_start3A_9 = tpu.memref_slice %arg5[%dma_start3A_8] : memref<512xi32, #tpu.memory_space<vmem>> -> memref<32xi32, #tpu.memory_space<vmem>>
    %dma_start3A_10 = arith.constant 0 : i32
    %dma_start3A_11 = arith.constant 0 : i32
    %dma_start3A_12 = tpu.memref_slice %arg3[%dma_start3A_10, %dma_start3A_11] : memref<100000x1024xf32, #tpu.memory_space<hbm>> -> memref<100000x1024xf32, #tpu.memory_space<hbm>>
    tpu.enqueue_indirect_dma source(%dma_start3A_12 : memref<100000x1024xf32, #tpu.memory_space<hbm>>) target(%dma_start3A_7 : memref<32x1024xf32, #tpu.memory_space<vmem>>) offsets(%dma_start3A_9 : memref<32xi32, #tpu.memory_space<vmem>>) semaphore(%arg7 : memref<!tpu.dma_semaphore, #tpu.memory_space<semaphore_mem>>)
    %rem3A_13 = arith.constant 1 : i32
    %rem3A_14 = arith.constant 3 : i32
    %rem3A_15 = arith.remsi %rem3A_13, %rem3A_14 : i32
    %mul3A_16 = arith.constant 32 : i32
    %mul3A_17 = arith.muli %rem3A_15, %mul3A_16 : i32
    %dma_start3A_18 = arith.constant 0 : i32
    %dma_start3A_19 = tpu.memref_slice %arg6[%mul3A_17, %dma_start3A_18] : memref<96x1024xf32, #tpu.memory_space<vmem>> -> memref<32x1024xf32, #tpu.memory_space<vmem>>
    %dma_start3A_20 = arith.constant 32 : i32
    %dma_start3A_21 = tpu.memref_slice %arg5[%dma_start3A_20] : memref<512xi32, #tpu.memory_space<vmem>> -> memref<32xi32, #tpu.memory_space<vmem>>
    %dma_start3A_22 = arith.constant 0 : i32
    %dma_start3A_23 = arith.constant 0 : i32
    %dma_start3A_24 = tpu.memref_slice %arg3[%dma_start3A_22, %dma_start3A_23] : memref<100000x1024xf32, #tpu.memory_space<hbm>> -> memref<100000x1024xf32, #tpu.memory_space<hbm>>
    tpu.enqueue_indirect_dma source(%dma_start3A_24 : memref<100000x1024xf32, #tpu.memory_space<hbm>>) target(%dma_start3A_19 : memref<32x1024xf32, #tpu.memory_space<vmem>>) offsets(%dma_start3A_21 : memref<32xi32, #tpu.memory_space<vmem>>) semaphore(%arg8 : memref<!tpu.dma_semaphore, #tpu.memory_space<semaphore_mem>>)
    %dma_wait3A = arith.constant 0 : i32
    %dma_wait3A_25 = arith.constant 0 : i32
    %dma_wait3A_26 = tpu.memref_slice %arg6[%dma_wait3A, %dma_wait3A_25] : memref<96x1024xf32, #tpu.memory_space<vmem>> -> memref<32x1024xf32, #tpu.memory_space<vmem>>
    %dma_wait3A_27 = arith.constant 0 : i32
    %dma_wait3A_28 = tpu.memref_slice %arg5[%dma_wait3A_27] : memref<512xi32, #tpu.memory_space<vmem>> -> memref<32xi32, #tpu.memory_space<vmem>>
    %dma_wait3A_29 = arith.constant 0 : i32
    %dma_wait3A_30 = arith.constant 0 : i32
    %dma_wait3A_31 = tpu.memref_slice %arg3[%dma_wait3A_29, %dma_wait3A_30] : memref<100000x1024xf32, #tpu.memory_space<hbm>> -> memref<100000x1024xf32, #tpu.memory_space<hbm>>
    tpu.wait_indirect_dma semaphore(%arg7 : memref<!tpu.dma_semaphore, #tpu.memory_space<semaphore_mem>>) src(%dma_wait3A_31 : memref<100000x1024xf32, #tpu.memory_space<hbm>>) dst(%dma_wait3A_26 : memref<32x1024xf32, #tpu.memory_space<vmem>>)
    %parallel_loop3A = arith.constant 0 : i32
    %parallel_loop3A_32 = arith.constant 2048 : i32
    %parallel_loop3A_33 = arith.constant 1 : i32
    scf.for %parallel_loop3A_111 = %parallel_loop3A to %parallel_loop3A_32 step %parallel_loop3A_33  : i32 {
      %parallel_loop3A_112 = arith.constant 6 : i32
      %parallel_loop3A_113 = arith.shrui %parallel_loop3A_111, %parallel_loop3A_112 : i32
      %parallel_loop3A_114 = arith.constant 0 : i32
      %parallel_loop3A_115 = arith.addi %parallel_loop3A_114, %parallel_loop3A_113 : i32
      %parallel_loop3A_116 = arith.constant 63 : i32
      %parallel_loop3A_117 = arith.andi %parallel_loop3A_111, %parallel_loop3A_116 : i32
      %parallel_loop3A_118 = arith.constant 4 : i32
      %parallel_loop3A_119 = arith.shli %parallel_loop3A_117, %parallel_loop3A_118 : i32
      %parallel_loop3A_120 = tpu.assume_multiple %parallel_loop3A_119, 16 : i32
      %parallel_loop3A_121 = arith.index_cast %parallel_loop3A_115 : i32 to index
      %parallel_loop3A_122 = arith.index_cast %parallel_loop3A_120 : i32 to index
      %parallel_loop3A_123 = tpu.vector_load %arg6[%parallel_loop3A_121, %parallel_loop3A_122] {strides = array<i32>} : memref<96x1024xf32, #tpu.memory_space<vmem>>, vector<1x16xf32>,
      %parallel_loop3A_124 = vector.shape_cast %parallel_loop3A_123 : vector<1x16xf32> to vector<16xf32>
      %parallel_loop3A_125 = arith.constant 3.200000e+01 : f32
      %parallel_loop3A_126 = vector.broadcast %parallel_loop3A_125 : f32 to vector<16xf32>
      %parallel_loop3A_127 = arith.mulf %parallel_loop3A_124, %parallel_loop3A_126 : vector<16xf32>
      %parallel_loop3A_128 = arith.index_cast %parallel_loop3A_115 : i32 to index
      %parallel_loop3A_129 = arith.index_cast %parallel_loop3A_120 : i32 to index
      %parallel_loop3A_130 = tpu.vector_load %arg6[%parallel_loop3A_128, %parallel_loop3A_129] {strides = array<i32>} : memref<96x1024xf32, #tpu.memory_space<vmem>>, vector<1x16xf32>,
      %parallel_loop3A_131 = vector.shape_cast %parallel_loop3A_130 : vector<1x16xf32> to vector<16xf32>
      %parallel_loop3A_132 = vector.shape_cast %parallel_loop3A_127 : vector<16xf32> to vector<1x16xf32>
      tpu.vector_store %arg6[%parallel_loop3A_128, %parallel_loop3A_129], %parallel_loop3A_132 {strides = array<i32>} : memref<96x1024xf32, #tpu.memory_space<vmem>>, vector<1x16xf32>,
    } {sc.loop_unroll_factor = 8 : i64, sc.parallel_access}
    %rem3A_34 = arith.constant 0 : i32
    %rem3A_35 = arith.constant 3 : i32
    %rem3A_36 = arith.remsi %rem3A_34, %rem3A_35 : i32
    %mul3A_37 = arith.constant 32 : i32
    %mul3A_38 = arith.muli %rem3A_36, %mul3A_37 : i32
    %add3A_39 = arith.constant 0 : i32
    %add3A_40 = arith.addi %mul3A_2, %add3A_39 : i32
    %dma_start3A_41 = arith.constant 0 : i32
    %dma_start3A_42 = tpu.memref_slice %arg6[%mul3A_38, %dma_start3A_41] : memref<96x1024xf32, #tpu.memory_space<vmem>> -> memref<32x1024xf32, #tpu.memory_space<vmem>>
    %dma_start3A_43 = arith.constant 0 : i32
    %dma_start3A_44 = tpu.memref_slice %arg4[%add3A_40, %dma_start3A_43] : memref<16384x1024xf32, #tpu.memory_space<hbm>> -> memref<32x1024xf32, #tpu.memory_space<hbm>>
    %dma_start3A_45 = arith.constant 0 : i32
    %dma_start3A_46 = tpu.memref_slice %arg4[%add3A_40, %dma_start3A_45] : memref<16384x1024xf32, #tpu.memory_space<hbm>> -> memref<32x1024xf32, #tpu.memory_space<hbm>>
    %dma_start3A_47 = arith.constant 0 : i32
    %dma_start3A_48 = tpu.memref_slice %arg6[%mul3A_38, %dma_start3A_47] : memref<96x1024xf32, #tpu.memory_space<vmem>> -> memref<32x1024xf32, #tpu.memory_space<vmem>>
    tpu.enqueue_dma source(%dma_start3A_48 : memref<32x1024xf32, #tpu.memory_space<vmem>>) target(%dma_start3A_46 : memref<32x1024xf32, #tpu.memory_space<hbm>>) target_semaphore(%arg9 : memref<!tpu.dma_semaphore, #tpu.memory_space<semaphore_mem>>)
    %rem3A_49 = arith.constant 2 : i32
    %rem3A_50 = arith.constant 3 : i32
    %rem3A_51 = arith.remsi %rem3A_49, %rem3A_50 : i32
    %mul3A_52 = arith.constant 32 : i32
    %mul3A_53 = arith.muli %rem3A_51, %mul3A_52 : i32
    %dma_start3A_54 = arith.constant 0 : i32
    %dma_start3A_55 = tpu.memref_slice %arg6[%mul3A_53, %dma_start3A_54] : memref<96x1024xf32, #tpu.memory_space<vmem>> -> memref<32x1024xf32, #tpu.memory_space<vmem>>
    %dma_start3A_56 = arith.constant 64 : i32
    %dma_start3A_57 = tpu.memref_slice %arg5[%dma_start3A_56] : memref<512xi32, #tpu.memory_space<vmem>> -> memref<32xi32, #tpu.memory_space<vmem>>
    %dma_start3A_58 = arith.constant 0 : i32
    %dma_start3A_59 = arith.constant 0 : i32
    %dma_start3A_60 = tpu.memref_slice %arg3[%dma_start3A_58, %dma_start3A_59] : memref<100000x1024xf32, #tpu.memory_space<hbm>> -> memref<100000x1024xf32, #tpu.memory_space<hbm>>
    tpu.enqueue_indirect_dma source(%dma_start3A_60 : memref<100000x1024xf32, #tpu.memory_space<hbm>>) target(%dma_start3A_55 : memref<32x1024xf32, #tpu.memory_space<vmem>>) offsets(%dma_start3A_57 : memref<32xi32, #tpu.memory_space<vmem>>) semaphore(%arg7 : memref<!tpu.dma_semaphore, #tpu.memory_space<semaphore_mem>>)
    %dma_wait3A_61 = arith.constant 0 : i32
    %dma_wait3A_62 = arith.constant 0 : i32
    %dma_wait3A_63 = tpu.memref_slice %arg6[%dma_wait3A_61, %dma_wait3A_62] : memref<96x1024xf32, #tpu.memory_space<vmem>> -> memref<32x1024xf32, #tpu.memory_space<vmem>>
    %dma_wait3A_64 = arith.constant 0 : i32
    %dma_wait3A_65 = tpu.memref_slice %arg5[%dma_wait3A_64] : memref<512xi32, #tpu.memory_space<vmem>> -> memref<32xi32, #tpu.memory_space<vmem>>
    %dma_wait3A_66 = arith.constant 0 : i32
    %dma_wait3A_67 = arith.constant 0 : i32
    %dma_wait3A_68 = tpu.memref_slice %arg3[%dma_wait3A_66, %dma_wait3A_67] : memref<100000x1024xf32, #tpu.memory_space<hbm>> -> memref<100000x1024xf32, #tpu.memory_space<hbm>>
    tpu.wait_indirect_dma semaphore(%arg8 : memref<!tpu.dma_semaphore, #tpu.memory_space<semaphore_mem>>) src(%dma_wait3A_68 : memref<100000x1024xf32, #tpu.memory_space<hbm>>) dst(%dma_wait3A_63 : memref<32x1024xf32, #tpu.memory_space<vmem>>)
    %parallel_loop3A_69 = arith.constant 0 : i32
    %parallel_loop3A_70 = arith.constant 2048 : i32
    %parallel_loop3A_71 = arith.constant 1 : i32
    scf.for %parallel_loop3A_111 = %parallel_loop3A_69 to %parallel_loop3A_70 step %parallel_loop3A_71  : i32 {
      %parallel_loop3A_112 = arith.constant 6 : i32
      %parallel_loop3A_113 = arith.shrui %parallel_loop3A_111, %parallel_loop3A_112 : i32
      %parallel_loop3A_114 = arith.constant 32 : i32
      %parallel_loop3A_115 = arith.addi %parallel_loop3A_114, %parallel_loop3A_113 : i32
      %parallel_loop3A_116 = arith.constant 63 : i32
      %parallel_loop3A_117 = arith.andi %parallel_loop3A_111, %parallel_loop3A_116 : i32
      %parallel_loop3A_118 = arith.constant 4 : i32
      %parallel_loop3A_119 = arith.shli %parallel_loop3A_117, %parallel_loop3A_118 : i32
      %parallel_loop3A_120 = tpu.assume_multiple %parallel_loop3A_119, 16 : i32
      %parallel_loop3A_121 = arith.index_cast %parallel_loop3A_115 : i32 to index
      %parallel_loop3A_122 = arith.index_cast %parallel_loop3A_120 : i32 to index
      %parallel_loop3A_123 = tpu.vector_load %arg6[%parallel_loop3A_121, %parallel_loop3A_122] {strides = array<i32>} : memref<96x1024xf32, #tpu.memory_space<vmem>>, vector<1x16xf32>,
      %parallel_loop3A_124 = vector.shape_cast %parallel_loop3A_123 : vector<1x16xf32> to vector<16xf32>
      %parallel_loop3A_125 = arith.constant 3.200000e+01 : f32
      %parallel_loop3A_126 = vector.broadcast %parallel_loop3A_125 : f32 to vector<16xf32>
      %parallel_loop3A_127 = arith.mulf %parallel_loop3A_124, %parallel_loop3A_126 : vector<16xf32>
      %parallel_loop3A_128 = arith.index_cast %parallel_loop3A_115 : i32 to index
      %parallel_loop3A_129 = arith.index_cast %parallel_loop3A_120 : i32 to index
      %parallel_loop3A_130 = tpu.vector_load %arg6[%parallel_loop3A_128, %parallel_loop3A_129] {strides = array<i32>} : memref<96x1024xf32, #tpu.memory_space<vmem>>, vector<1x16xf32>,
      %parallel_loop3A_131 = vector.shape_cast %parallel_loop3A_130 : vector<1x16xf32> to vector<16xf32>
      %parallel_loop3A_132 = vector.shape_cast %parallel_loop3A_127 : vector<16xf32> to vector<1x16xf32>
      tpu.vector_store %arg6[%parallel_loop3A_128, %parallel_loop3A_129], %parallel_loop3A_132 {strides = array<i32>} : memref<96x1024xf32, #tpu.memory_space<vmem>>, vector<1x16xf32>,
    } {sc.loop_unroll_factor = 8 : i64, sc.parallel_access}
    %rem3A_72 = arith.constant 1 : i32
    %rem3A_73 = arith.constant 3 : i32
    %rem3A_74 = arith.remsi %rem3A_72, %rem3A_73 : i32
    %mul3A_75 = arith.constant 32 : i32
    %mul3A_76 = arith.muli %rem3A_74, %mul3A_75 : i32
    %add3A_77 = arith.constant 32 : i32
    %add3A_78 = arith.addi %mul3A_2, %add3A_77 : i32
    %dma_start3A_79 = arith.constant 0 : i32
    %dma_start3A_80 = tpu.memref_slice %arg6[%mul3A_76, %dma_start3A_79] : memref<96x1024xf32, #tpu.memory_space<vmem>> -> memref<32x1024xf32, #tpu.memory_space<vmem>>
    %dma_start3A_81 = arith.constant 0 : i32
    %dma_start3A_82 = tpu.memref_slice %arg4[%add3A_78, %dma_start3A_81] : memref<16384x1024xf32, #tpu.memory_space<hbm>> -> memref<32x1024xf32, #tpu.memory_space<hbm>>
    %dma_start3A_83 = arith.constant 0 : i32
    %dma_start3A_84 = tpu.memref_slice %arg4[%add3A_78, %dma_start3A_83] : memref<16384x1024xf32, #tpu.memory_space<hbm>> -> memref<32x1024xf32, #tpu.memory_space<hbm>>
    %dma_start3A_85 = arith.constant 0 : i32
    %dma_start3A_86 = tpu.memref_slice %arg6[%mul3A_76, %dma_start3A_85] : memref<96x1024xf32, #tpu.memory_space<vmem>> -> memref<32x1024xf32, #tpu.memory_space<vmem>>
    tpu.enqueue_dma source(%dma_start3A_86 : memref<32x1024xf32, #tpu.memory_space<vmem>>) target(%dma_start3A_84 : memref<32x1024xf32, #tpu.memory_space<hbm>>) target_semaphore(%arg10 : memref<!tpu.dma_semaphore, #tpu.memory_space<semaphore_mem>>)
    %scan3A = arith.constant 0 : i32
    %scan3A_87 = arith.constant 7 : i32
    %scan3A_88 = arith.addi %scan3A, %scan3A_87 : i32
    %scan3A_89 = arith.constant 1 : i32
    scf.for %scan3A_111 = %scan3A to %scan3A_88 step %scan3A_89  : i32 {
      %mul3A_112 = arith.constant 2 : i32
      %mul3A_113 = arith.muli %scan3A_111, %mul3A_112 : i32
      %add3A_114 = arith.constant 2 : i32
      %add3A_115 = arith.addi %add3A_114, %mul3A_113 : i32
      %add3A_116 = arith.constant 0 : i32
      %add3A_117 = arith.addi %add3A_115, %add3A_116 : i32
      %dma_wait3A_118 = arith.constant 0 : i32
      %dma_wait3A_119 = arith.constant 0 : i32
      %dma_wait3A_120 = tpu.memref_slice %arg6[%dma_wait3A_118, %dma_wait3A_119] : memref<96x1024xf32, #tpu.memory_space<vmem>> -> memref<32x1024xf32, #tpu.memory_space<vmem>>
      %dma_wait3A_121 = arith.constant 0 : i32
      %dma_wait3A_122 = tpu.memref_slice %arg4[%mul3A_2, %dma_wait3A_121] : memref<16384x1024xf32, #tpu.memory_space<hbm>> -> memref<32x1024xf32, #tpu.memory_space<hbm>>
      %dma_wait3A_123 = arith.constant 0 : i32
      %dma_wait3A_124 = tpu.memref_slice %arg4[%mul3A_2, %dma_wait3A_123] : memref<16384x1024xf32, #tpu.memory_space<hbm>> -> memref<32x1024xf32, #tpu.memory_space<hbm>>
      %dma_wait3A_125 = arith.constant 0 : i32
      %dma_wait3A_126 = arith.constant 0 : i32
      %dma_wait3A_127 = tpu.memref_slice %arg6[%dma_wait3A_125, %dma_wait3A_126] : memref<96x1024xf32, #tpu.memory_space<vmem>> -> memref<32x1024xf32, #tpu.memory_space<vmem>>
      tpu.wait_dma2 semaphore(%arg9 : memref<!tpu.dma_semaphore, #tpu.memory_space<semaphore_mem>>) src(%dma_wait3A_127 : memref<32x1024xf32, #tpu.memory_space<vmem>>) dst(%dma_wait3A_124 : memref<32x1024xf32, #tpu.memory_space<hbm>>)
      %add3A_128 = arith.constant 1 : i32
      %add3A_129 = arith.addi %add3A_117, %add3A_128 : i32
      %lt3A = arith.constant 16 : i32
      %lt3A_130 = arith.cmpi slt, %add3A_129, %lt3A : i32
      %convert_element_type3A = arith.extui %lt3A_130 : i1 to i32
      %cond3A = arith.constant 0 : i32
      %cond3A_131 = arith.cmpi ne, %convert_element_type3A, %cond3A : i32
      scf.if %cond3A_131 {
        %add3A_211 = arith.constant 1 : i32
        %add3A_212 = arith.addi %add3A_117, %add3A_211 : i32
        %mul3A_213 = arith.constant 32 : i32
        %mul3A_214 = arith.muli %add3A_212, %mul3A_213 : i32
        %rem3A_215 = arith.constant 3 : i32
        %rem3A_216 = arith.remsi %add3A_212, %rem3A_215 : i32
        %mul3A_217 = arith.constant 32 : i32
        %mul3A_218 = arith.muli %rem3A_216, %mul3A_217 : i32
        %dma_start3A_219 = arith.constant 0 : i32
        %dma_start3A_220 = tpu.memref_slice %arg6[%mul3A_218, %dma_start3A_219] : memref<96x1024xf32, #tpu.memory_space<vmem>> -> memref<32x1024xf32, #tpu.memory_space<vmem>>
        %dma_start3A_221 = tpu.memref_slice %arg5[%mul3A_214] : memref<512xi32, #tpu.memory_space<vmem>> -> memref<32xi32, #tpu.memory_space<vmem>>
        %dma_start3A_222 = arith.constant 0 : i32
        %dma_start3A_223 = arith.constant 0 : i32
        %dma_start3A_224 = tpu.memref_slice %arg3[%dma_start3A_222, %dma_start3A_223] : memref<100000x1024xf32, #tpu.memory_space<hbm>> -> memref<100000x1024xf32, #tpu.memory_space<hbm>>
        tpu.enqueue_indirect_dma source(%dma_start3A_224 : memref<100000x1024xf32, #tpu.memory_space<hbm>>) target(%dma_start3A_220 : memref<32x1024xf32, #tpu.memory_space<vmem>>) offsets(%dma_start3A_221 : memref<32xi32, #tpu.memory_space<vmem>>) semaphore(%arg8 : memref<!tpu.dma_semaphore, #tpu.memory_space<semaphore_mem>>)
      } else {
      }
      %dma_wait3A_132 = arith.constant 0 : i32
      %dma_wait3A_133 = arith.constant 0 : i32
      %dma_wait3A_134 = tpu.memref_slice %arg6[%dma_wait3A_132, %dma_wait3A_133] : memref<96x1024xf32, #tpu.memory_space<vmem>> -> memref<32x1024xf32, #tpu.memory_space<vmem>>
      %dma_wait3A_135 = arith.constant 0 : i32
      %dma_wait3A_136 = tpu.memref_slice %arg5[%dma_wait3A_135] : memref<512xi32, #tpu.memory_space<vmem>> -> memref<32xi32, #tpu.memory_space<vmem>>
      %dma_wait3A_137 = arith.constant 0 : i32
      %dma_wait3A_138 = arith.constant 0 : i32
      %dma_wait3A_139 = tpu.memref_slice %arg3[%dma_wait3A_137, %dma_wait3A_138] : memref<100000x1024xf32, #tpu.memory_space<hbm>> -> memref<100000x1024xf32, #tpu.memory_space<hbm>>
      tpu.wait_indirect_dma semaphore(%arg7 : memref<!tpu.dma_semaphore, #tpu.memory_space<semaphore_mem>>) src(%dma_wait3A_139 : memref<100000x1024xf32, #tpu.memory_space<hbm>>) dst(%dma_wait3A_134 : memref<32x1024xf32, #tpu.memory_space<vmem>>)
      %rem3A_140 = arith.constant 3 : i32
      %rem3A_141 = arith.remsi %add3A_117, %rem3A_140 : i32
      %mul3A_142 = arith.constant 32 : i32
      %mul3A_143 = arith.muli %rem3A_141, %mul3A_142 : i32
      %parallel_loop3A_144 = arith.constant 0 : i32
      %parallel_loop3A_145 = arith.constant 2048 : i32
      %parallel_loop3A_146 = arith.constant 1 : i32
      scf.for %parallel_loop3A_211 = %parallel_loop3A_144 to %parallel_loop3A_145 step %parallel_loop3A_146  : i32 {
        %parallel_loop3A_212 = arith.constant 6 : i32
        %parallel_loop3A_213 = arith.shrui %parallel_loop3A_211, %parallel_loop3A_212 : i32
        %parallel_loop3A_214 = arith.addi %mul3A_143, %parallel_loop3A_213 : i32
        %parallel_loop3A_215 = arith.constant 63 : i32
        %parallel_loop3A_216 = arith.andi %parallel_loop3A_211, %parallel_loop3A_215 : i32
        %parallel_loop3A_217 = arith.constant 4 : i32
        %parallel_loop3A_218 = arith.shli %parallel_loop3A_216, %parallel_loop3A_217 : i32
        %parallel_loop3A_219 = tpu.assume_multiple %parallel_loop3A_218, 16 : i32
        %parallel_loop3A_220 = arith.index_cast %parallel_loop3A_214 : i32 to index
        %parallel_loop3A_221 = arith.index_cast %parallel_loop3A_219 : i32 to index
        %parallel_loop3A_222 = tpu.vector_load %arg6[%parallel_loop3A_220, %parallel_loop3A_221] {strides = array<i32>} : memref<96x1024xf32, #tpu.memory_space<vmem>>, vector<1x16xf32>,
        %parallel_loop3A_223 = vector.shape_cast %parallel_loop3A_222 : vector<1x16xf32> to vector<16xf32>
        %parallel_loop3A_224 = arith.constant 3.200000e+01 : f32
        %parallel_loop3A_225 = vector.broadcast %parallel_loop3A_224 : f32 to vector<16xf32>
        %parallel_loop3A_226 = arith.mulf %parallel_loop3A_223, %parallel_loop3A_225 : vector<16xf32>
        %parallel_loop3A_227 = arith.index_cast %parallel_loop3A_214 : i32 to index
        %parallel_loop3A_228 = arith.index_cast %parallel_loop3A_219 : i32 to index
        %parallel_loop3A_229 = tpu.vector_load %arg6[%parallel_loop3A_227, %parallel_loop3A_228] {strides = array<i32>} : memref<96x1024xf32, #tpu.memory_space<vmem>>, vector<1x16xf32>,
        %parallel_loop3A_230 = vector.shape_cast %parallel_loop3A_229 : vector<1x16xf32> to vector<16xf32>
        %parallel_loop3A_231 = vector.shape_cast %parallel_loop3A_226 : vector<16xf32> to vector<1x16xf32>
        tpu.vector_store %arg6[%parallel_loop3A_227, %parallel_loop3A_228], %parallel_loop3A_231 {strides = array<i32>} : memref<96x1024xf32, #tpu.memory_space<vmem>>, vector<1x16xf32>,
      } {sc.loop_unroll_factor = 8 : i64, sc.parallel_access}
      %rem3A_147 = arith.constant 3 : i32
      %rem3A_148 = arith.remsi %add3A_117, %rem3A_147 : i32
      %mul3A_149 = arith.constant 32 : i32
      %mul3A_150 = arith.muli %rem3A_148, %mul3A_149 : i32
      %mul3A_151 = arith.constant 32 : i32
      %mul3A_152 = arith.muli %add3A_117, %mul3A_151 : i32
      %add3A_153 = arith.addi %mul3A_2, %mul3A_152 : i32
      %dma_start3A_154 = arith.constant 0 : i32
      %dma_start3A_155 = tpu.memref_slice %arg6[%mul3A_150, %dma_start3A_154] : memref<96x1024xf32, #tpu.memory_space<vmem>> -> memref<32x1024xf32, #tpu.memory_space<vmem>>
      %dma_start3A_156 = arith.constant 0 : i32
      %dma_start3A_157 = tpu.memref_slice %arg4[%add3A_153, %dma_start3A_156] : memref<16384x1024xf32, #tpu.memory_space<hbm>> -> memref<32x1024xf32, #tpu.memory_space<hbm>>
      %dma_start3A_158 = arith.constant 0 : i32
      %dma_start3A_159 = tpu.memref_slice %arg4[%add3A_153, %dma_start3A_158] : memref<16384x1024xf32, #tpu.memory_space<hbm>> -> memref<32x1024xf32, #tpu.memory_space<hbm>>
      %dma_start3A_160 = arith.constant 0 : i32
      %dma_start3A_161 = tpu.memref_slice %arg6[%mul3A_150, %dma_start3A_160] : memref<96x1024xf32, #tpu.memory_space<vmem>> -> memref<32x1024xf32, #tpu.memory_space<vmem>>
      tpu.enqueue_dma source(%dma_start3A_161 : memref<32x1024xf32, #tpu.memory_space<vmem>>) target(%dma_start3A_159 : memref<32x1024xf32, #tpu.memory_space<hbm>>) target_semaphore(%arg9 : memref<!tpu.dma_semaphore, #tpu.memory_space<semaphore_mem>>)
      %add3A_162 = arith.constant 1 : i32
      %add3A_163 = arith.addi %add3A_115, %add3A_162 : i32
      %dma_wait3A_164 = arith.constant 0 : i32
      %dma_wait3A_165 = arith.constant 0 : i32
      %dma_wait3A_166 = tpu.memref_slice %arg6[%dma_wait3A_164, %dma_wait3A_165] : memref<96x1024xf32, #tpu.memory_space<vmem>> -> memref<32x1024xf32, #tpu.memory_space<vmem>>
      %dma_wait3A_167 = arith.constant 0 : i32
      %dma_wait3A_168 = tpu.memref_slice %arg4[%mul3A_2, %dma_wait3A_167] : memref<16384x1024xf32, #tpu.memory_space<hbm>> -> memref<32x1024xf32, #tpu.memory_space<hbm>>
      %dma_wait3A_169 = arith.constant 0 : i32
      %dma_wait3A_170 = tpu.memref_slice %arg4[%mul3A_2, %dma_wait3A_169] : memref<16384x1024xf32, #tpu.memory_space<hbm>> -> memref<32x1024xf32, #tpu.memory_space<hbm>>
      %dma_wait3A_171 = arith.constant 0 : i32
      %dma_wait3A_172 = arith.constant 0 : i32
      %dma_wait3A_173 = tpu.memref_slice %arg6[%dma_wait3A_171, %dma_wait3A_172] : memref<96x1024xf32, #tpu.memory_space<vmem>> -> memref<32x1024xf32, #tpu.memory_space<vmem>>
      tpu.wait_dma2 semaphore(%arg10 : memref<!tpu.dma_semaphore, #tpu.memory_space<semaphore_mem>>) src(%dma_wait3A_173 : memref<32x1024xf32, #tpu.memory_space<vmem>>) dst(%dma_wait3A_170 : memref<32x1024xf32, #tpu.memory_space<hbm>>)
      %add3A_174 = arith.constant 1 : i32
      %add3A_175 = arith.addi %add3A_163, %add3A_174 : i32
      %lt3A_176 = arith.constant 16 : i32
      %lt3A_177 = arith.cmpi slt, %add3A_175, %lt3A_176 : i32
      %convert_element_type3A_178 = arith.extui %lt3A_177 : i1 to i32
      %cond3A_179 = arith.constant 0 : i32
      %cond3A_180 = arith.cmpi ne, %convert_element_type3A_178, %cond3A_179 : i32
      scf.if %cond3A_180 {
        %add3A_211 = arith.constant 1 : i32
        %add3A_212 = arith.addi %add3A_163, %add3A_211 : i32
        %mul3A_213 = arith.constant 32 : i32
        %mul3A_214 = arith.muli %add3A_212, %mul3A_213 : i32
        %rem3A_215 = arith.constant 3 : i32
        %rem3A_216 = arith.remsi %add3A_212, %rem3A_215 : i32
        %mul3A_217 = arith.constant 32 : i32
        %mul3A_218 = arith.muli %rem3A_216, %mul3A_217 : i32
        %dma_start3A_219 = arith.constant 0 : i32
        %dma_start3A_220 = tpu.memref_slice %arg6[%mul3A_218, %dma_start3A_219] : memref<96x1024xf32, #tpu.memory_space<vmem>> -> memref<32x1024xf32, #tpu.memory_space<vmem>>
        %dma_start3A_221 = tpu.memref_slice %arg5[%mul3A_214] : memref<512xi32, #tpu.memory_space<vmem>> -> memref<32xi32, #tpu.memory_space<vmem>>
        %dma_start3A_222 = arith.constant 0 : i32
        %dma_start3A_223 = arith.constant 0 : i32
        %dma_start3A_224 = tpu.memref_slice %arg3[%dma_start3A_222, %dma_start3A_223] : memref<100000x1024xf32, #tpu.memory_space<hbm>> -> memref<100000x1024xf32, #tpu.memory_space<hbm>>
        tpu.enqueue_indirect_dma source(%dma_start3A_224 : memref<100000x1024xf32, #tpu.memory_space<hbm>>) target(%dma_start3A_220 : memref<32x1024xf32, #tpu.memory_space<vmem>>) offsets(%dma_start3A_221 : memref<32xi32, #tpu.memory_space<vmem>>) semaphore(%arg7 : memref<!tpu.dma_semaphore, #tpu.memory_space<semaphore_mem>>)
      } else {
      }
      %dma_wait3A_181 = arith.constant 0 : i32
      %dma_wait3A_182 = arith.constant 0 : i32
      %dma_wait3A_183 = tpu.memref_slice %arg6[%dma_wait3A_181, %dma_wait3A_182] : memref<96x1024xf32, #tpu.memory_space<vmem>> -> memref<32x1024xf32, #tpu.memory_space<vmem>>
      %dma_wait3A_184 = arith.constant 0 : i32
      %dma_wait3A_185 = tpu.memref_slice %arg5[%dma_wait3A_184] : memref<512xi32, #tpu.memory_space<vmem>> -> memref<32xi32, #tpu.memory_space<vmem>>
      %dma_wait3A_186 = arith.constant 0 : i32
      %dma_wait3A_187 = arith.constant 0 : i32
      %dma_wait3A_188 = tpu.memref_slice %arg3[%dma_wait3A_186, %dma_wait3A_187] : memref<100000x1024xf32, #tpu.memory_space<hbm>> -> memref<100000x1024xf32, #tpu.memory_space<hbm>>
      tpu.wait_indirect_dma semaphore(%arg8 : memref<!tpu.dma_semaphore, #tpu.memory_space<semaphore_mem>>) src(%dma_wait3A_188 : memref<100000x1024xf32, #tpu.memory_space<hbm>>) dst(%dma_wait3A_183 : memref<32x1024xf32, #tpu.memory_space<vmem>>)
      %rem3A_189 = arith.constant 3 : i32
      %rem3A_190 = arith.remsi %add3A_163, %rem3A_189 : i32
      %mul3A_191 = arith.constant 32 : i32
      %mul3A_192 = arith.muli %rem3A_190, %mul3A_191 : i32
      %parallel_loop3A_193 = arith.constant 0 : i32
      %parallel_loop3A_194 = arith.constant 2048 : i32
      %parallel_loop3A_195 = arith.constant 1 : i32
      scf.for %parallel_loop3A_211 = %parallel_loop3A_193 to %parallel_loop3A_194 step %parallel_loop3A_195  : i32 {
        %parallel_loop3A_212 = arith.constant 6 : i32
        %parallel_loop3A_213 = arith.shrui %parallel_loop3A_211, %parallel_loop3A_212 : i32
        %parallel_loop3A_214 = arith.addi %mul3A_192, %parallel_loop3A_213 : i32
        %parallel_loop3A_215 = arith.constant 63 : i32
        %parallel_loop3A_216 = arith.andi %parallel_loop3A_211, %parallel_loop3A_215 : i32
        %parallel_loop3A_217 = arith.constant 4 : i32
        %parallel_loop3A_218 = arith.shli %parallel_loop3A_216, %parallel_loop3A_217 : i32
        %parallel_loop3A_219 = tpu.assume_multiple %parallel_loop3A_218, 16 : i32
        %parallel_loop3A_220 = arith.index_cast %parallel_loop3A_214 : i32 to index
        %parallel_loop3A_221 = arith.index_cast %parallel_loop3A_219 : i32 to index
        %parallel_loop3A_222 = tpu.vector_load %arg6[%parallel_loop3A_220, %parallel_loop3A_221] {strides = array<i32>} : memref<96x1024xf32, #tpu.memory_space<vmem>>, vector<1x16xf32>,
        %parallel_loop3A_223 = vector.shape_cast %parallel_loop3A_222 : vector<1x16xf32> to vector<16xf32>
        %parallel_loop3A_224 = arith.constant 3.200000e+01 : f32
        %parallel_loop3A_225 = vector.broadcast %parallel_loop3A_224 : f32 to vector<16xf32>
        %parallel_loop3A_226 = arith.mulf %parallel_loop3A_223, %parallel_loop3A_225 : vector<16xf32>
        %parallel_loop3A_227 = arith.index_cast %parallel_loop3A_214 : i32 to index
        %parallel_loop3A_228 = arith.index_cast %parallel_loop3A_219 : i32 to index
        %parallel_loop3A_229 = tpu.vector_load %arg6[%parallel_loop3A_227, %parallel_loop3A_228] {strides = array<i32>} : memref<96x1024xf32, #tpu.memory_space<vmem>>, vector<1x16xf32>,
        %parallel_loop3A_230 = vector.shape_cast %parallel_loop3A_229 : vector<1x16xf32> to vector<16xf32>
        %parallel_loop3A_231 = vector.shape_cast %parallel_loop3A_226 : vector<16xf32> to vector<1x16xf32>
        tpu.vector_store %arg6[%parallel_loop3A_227, %parallel_loop3A_228], %parallel_loop3A_231 {strides = array<i32>} : memref<96x1024xf32, #tpu.memory_space<vmem>>, vector<1x16xf32>,
      } {sc.loop_unroll_factor = 8 : i64, sc.parallel_access}
      %rem3A_196 = arith.constant 3 : i32
      %rem3A_197 = arith.remsi %add3A_163, %rem3A_196 : i32
      %mul3A_198 = arith.constant 32 : i32
      %mul3A_199 = arith.muli %rem3A_197, %mul3A_198 : i32
      %mul3A_200 = arith.constant 32 : i32
      %mul3A_201 = arith.muli %add3A_163, %mul3A_200 : i32
      %add3A_202 = arith.addi %mul3A_2, %mul3A_201 : i32
      %dma_start3A_203 = arith.constant 0 : i32
      %dma_start3A_204 = tpu.memref_slice %arg6[%mul3A_199, %dma_start3A_203] : memref<96x1024xf32, #tpu.memory_space<vmem>> -> memref<32x1024xf32, #tpu.memory_space<vmem>>
      %dma_start3A_205 = arith.constant 0 : i32
      %dma_start3A_206 = tpu.memref_slice %arg4[%add3A_202, %dma_start3A_205] : memref<16384x1024xf32, #tpu.memory_space<hbm>> -> memref<32x1024xf32, #tpu.memory_space<hbm>>
      %dma_start3A_207 = arith.constant 0 : i32
      %dma_start3A_208 = tpu.memref_slice %arg4[%add3A_202, %dma_start3A_207] : memref<16384x1024xf32, #tpu.memory_space<hbm>> -> memref<32x1024xf32, #tpu.memory_space<hbm>>
      %dma_start3A_209 = arith.constant 0 : i32
      %dma_start3A_210 = tpu.memref_slice %arg6[%mul3A_199, %dma_start3A_209] : memref<96x1024xf32, #tpu.memory_space<vmem>> -> memref<32x1024xf32, #tpu.memory_space<vmem>>
      tpu.enqueue_dma source(%dma_start3A_210 : memref<32x1024xf32, #tpu.memory_space<vmem>>) target(%dma_start3A_208 : memref<32x1024xf32, #tpu.memory_space<hbm>>) target_semaphore(%arg10 : memref<!tpu.dma_semaphore, #tpu.memory_space<semaphore_mem>>)
    }
    %scan3A_90 = arith.constant 7 : i32
    %dma_wait3A_91 = arith.constant 0 : i32
    %dma_wait3A_92 = arith.constant 0 : i32
    %dma_wait3A_93 = tpu.memref_slice %arg6[%dma_wait3A_91, %dma_wait3A_92] : memref<96x1024xf32, #tpu.memory_space<vmem>> -> memref<32x1024xf32, #tpu.memory_space<vmem>>
    %dma_wait3A_94 = arith.constant 0 : i32
    %dma_wait3A_95 = tpu.memref_slice %arg4[%mul3A_2, %dma_wait3A_94] : memref<16384x1024xf32, #tpu.memory_space<hbm>> -> memref<32x1024xf32, #tpu.memory_space<hbm>>
    %dma_wait3A_96 = arith.constant 0 : i32
    %dma_wait3A_97 = tpu.memref_slice %arg4[%mul3A_2, %dma_wait3A_96] : memref<16384x1024xf32, #tpu.memory_space<hbm>> -> memref<32x1024xf32, #tpu.memory_space<hbm>>
    %dma_wait3A_98 = arith.constant 0 : i32
    %dma_wait3A_99 = arith.constant 0 : i32
    %dma_wait3A_100 = tpu.memref_slice %arg6[%dma_wait3A_98, %dma_wait3A_99] : memref<96x1024xf32, #tpu.memory_space<vmem>> -> memref<32x1024xf32, #tpu.memory_space<vmem>>
    tpu.wait_dma2 semaphore(%arg9 : memref<!tpu.dma_semaphore, #tpu.memory_space<semaphore_mem>>) src(%dma_wait3A_100 : memref<32x1024xf32, #tpu.memory_space<vmem>>) dst(%dma_wait3A_97 : memref<32x1024xf32, #tpu.memory_space<hbm>>)
    %dma_wait3A_101 = arith.constant 0 : i32
    %dma_wait3A_102 = arith.constant 0 : i32
    %dma_wait3A_103 = tpu.memref_slice %arg6[%dma_wait3A_101, %dma_wait3A_102] : memref<96x1024xf32, #tpu.memory_space<vmem>> -> memref<32x1024xf32, #tpu.memory_space<vmem>>
    %dma_wait3A_104 = arith.constant 0 : i32
    %dma_wait3A_105 = tpu.memref_slice %arg4[%mul3A_2, %dma_wait3A_104] : memref<16384x1024xf32, #tpu.memory_space<hbm>> -> memref<32x1024xf32, #tpu.memory_space<hbm>>
    %dma_wait3A_106 = arith.constant 0 : i32
    %dma_wait3A_107 = tpu.memref_slice %arg4[%mul3A_2, %dma_wait3A_106] : memref<16384x1024xf32, #tpu.memory_space<hbm>> -> memref<32x1024xf32, #tpu.memory_space<hbm>>
    %dma_wait3A_108 = arith.constant 0 : i32
    %dma_wait3A_109 = arith.constant 0 : i32
    %dma_wait3A_110 = tpu.memref_slice %arg6[%dma_wait3A_108, %dma_wait3A_109] : memref<96x1024xf32, #tpu.memory_space<vmem>> -> memref<32x1024xf32, #tpu.memory_space<vmem>>
    tpu.wait_dma2 semaphore(%arg10 : memref<!tpu.dma_semaphore, #tpu.memory_space<semaphore_mem>>) src(%dma_wait3A_110 : memref<32x1024xf32, #tpu.memory_space<vmem>>) dst(%dma_wait3A_107 : memref<32x1024xf32, #tpu.memory_space<hbm>>)
    return
  }
}

</mosaic_0001>

<sc_bundles>
// kernel: kernel.3.cloned.1.call-start
scs
__scs_entry_jumppad:
0x0: {  	(pc) =	sbr.rel $0x88, $3  }
0x1: {  	(tag) =	ssettag $0x0;
	lr =	simm.s32 $0x1  }
0x2: {  	[smem:$0x3F9F] =	sst lr;
	_ =	strace $0xD0000000  }
0x3: {  	_ = 	snop  }
0x4: {  	_ = 	snop  }
0x5: {  	_ = 	snop  }
0x6: {  	_ = 	snop  }
0x7: {  	_ = 	snop  }
__scs_overlays_trampoline_lowered:
0x8: {  	[smem:$0x3FAE] =	sst s0  }
0x9: {  	[smem:$0x3FAF] =	sst s1  }
0xa: {  	[smem:$0x3FB0] =	sst s2  }
0xb: {  	[smem:$0x3FB1] =	sst s3  }
0xc: {  	[smem:$0x3FB2] =	sst s4  }
0xd: {  	[smem:$0x3FB3] =	sst s5  }
0xe: {  	[smem:$0x3FB4] =	sst s6  }
0xf: {  	[smem:$0x3FB5] =	sst s7  }
0x10: {  	[smem:$0x3FB6] =	sst s8  }
0x11: {  	[smem:$0x3FB7] =	sst s9;
	s0 =	simm.s32 @!p0 $0x0  }
0x12: {  	s1 =	sld [smem:$0x3F9D];
	s0 =	simm.s32 @p0 $0x1  }
0x13: {  	[smem:$0x3FB8] =	sst s0;
	s0 =	simm.s32 @!p1 $0x0  }
0x14: {  	s2 =	sld [smem:$0x3F9C];
	s0 =	simm.s32 @p1 $0x1  }
0x15: {  	[smem:$0x3FB9] =	sst s0;
	s0 =	simm.s32 @!p2 $0x0  }
0x16: {  	s3 =	sld [smem:$0x3FDB];
	s0 =	simm.s32 @p2 $0x1  }
0x17: {  	s4 =	simm.s32 $0x1BF5;
	[smem:$0x3FBB] =	sst s0  }
0x18: {  	s0 =	sld [smem:$0x3F9E];
	_ =	swait.ge [sflag:s4], $0x0  }
0x19: {  	s7 =	sld [smem:$0x3F9F]  }
0x1a: {  	s8 =	sadd.s32 $0xFFFFE003, lr  }
0x1b: {  	s9 =	sadd.s32 $0xFFFFFEF7, lr;
	s5 =	simm.s32 $0xFFFFFFFF;
	p2 =	slt.u32 s8, $0xFFFFF086  }
0x1c: {  	p1 =	slt.u32 s9, $0xF7A;
	s5 =	simm.s32 @!p2 $0x0  }
0x1d: {  	s5 =	simm.s32 @p1 $0x1;
	p0 =	seq.s32 s7, s2  }
0x1e: {  	s7 =	smul.u32 @!p0 $0xF7A, s2;
	p2 =	seq.s32 @!p0 s5, $0x0  }
0x1f: {  	s9 =	smul.u32 $0xF7A, s1;
	s8 =	simm.s32 @!p0 $0x1BF5;
	p2 =	por !p2, p0  }
0x20: {  	[sflag:s8] =	ssyncset.s32 @!p0 $0xFFFFF086;
	s6 =	sadd.s32 @!p0 s3, s7;
	s7 =	simm.s32 @!p0 $0x108  }
0x21: {  	s3 =	sadd.s32 s3, s9;
	s6 =	sadd.s32 @!p0 $0x88, s6;
	s7 =	simm.s32 @p2 $0x1082  }
0x22: {  	[simem:s7], [sflag:s8] =	dma.local @!p0 [hbm:s6], $0xF7A  }
0x23: {  	s9 =	sor.u32 $0xD0000000, s2;
	s6 =	simm.s32 $0x108;
	_ =	swait.ge @!p0 [sflag:s8], $0x0  }
0x24: {  	s3 =	sadd.s32 $0x88, s3;
	s6 =	simm.s32 @!p1 $0x1082;
	[sflag:s4] =	ssyncset.s32 $0xFFFFF086  }
0x25: {  	[simem:s6], [sflag:s4] =	dma.local [hbm:s3], $0xF7A  }
0x26: {  	[smem:$0x3F9F] =	sst s1;
	(tag) =	ssettag s2;
	_ =	strace s9  }
0x27: {  	s1 =	sld [smem:$0x3FAF]  }
0x28: {  	s2 =	sld [smem:$0x3FB0]  }
0x29: {  	s4 =	sld [smem:$0x3FB2]  }
0x2a: {  	p0 =	seq.s32 s5, $0x0;
	s5 =	sld [smem:$0x3FB3]  }
0x2b: {  	s6 =	sld [smem:$0x3FB4]  }
0x2c: {  	s7 =	sld [smem:$0x3FB5]  }
0x2d: {  	s3 =	simm.s32 $0x108;
	s8 =	sld [smem:$0x3FB6]  }
0x2e: {  	s3 =	simm.s32 @!p0 $0x1082;
	s9 =	sld [smem:$0x3FB7]  }
0x2f: {  	lr =	sadd.s32 s0, s3;
	s0 =	sld [smem:$0x3FAE]  }
0x30: {  	s3 =	sld [smem:$0x3FB1]  }
0x31: {  	[smem:$0x3FBA] =	sst s10  }
0x32: {  	s10 =	sld [smem:$0x3FB8];
	_ =	sdelay $0x3  }
0x33: {  	p0 =	seq.s32 s10, $0x1;
	s10 =	sld [smem:$0x3FBA];
	_ =	sdelay $0x3  }
0x34: {  	[smem:$0x3FBA] =	sst s10  }
0x35: {  	s10 =	sld [smem:$0x3FB9];
	_ =	sdelay $0x3  }
0x36: {  	p1 =	seq.s32 s10, $0x1;
	s10 =	sld [smem:$0x3FBA];
	_ =	sdelay $0x3  }
0x37: {  	[smem:$0x3FBA] =	sst s10  }
0x38: {  	s10 =	sld [smem:$0x3FBB]  }
0x39: {  	_ = 	snop;
	(pc) =	sbr.ind lr, $3  }
0x3a: {  	_ = 	snop  }
0x3b: {  	_ = 	snop  }
0x3c: {  	p2 =	seq.s32 s10, $0x1;
	s10 =	sld [smem:$0x3FBA]  }
0x3d: {  	_ =	shalt  }
0x3e: {  	_ =	shalt  }
0x3f: {  	_ =	shalt  }
0x40: {  	_ =	shalt  }
0x41: {  	_ =	shalt  }
0x42: {  	_ =	shalt  }
0x43: {  	_ =	shalt  }
0x44: {  	_ =	shalt  }
0x45: {  	_ =	shalt  }
0x46: {  	_ =	shalt  }
0x47: {  	_ =	shalt  }
0x48: {  	_ =	shalt  }
0x49: {  	_ =	shalt  }
0x4a: {  	_ =	shalt  }
0x4b: {  	_ =	shalt  }
0x4c: {  	_ =	shalt  }
0x4d: {  	_ =	shalt  }
0x4e: {  	_ =	shalt  }
0x4f: {  	_ =	shalt  }
0x50: {  	_ =	shalt  }
0x51: {  	_ =	shalt  }
0x52: {  	_ =	shalt  }
0x53: {  	_ =	shalt  }
0x54: {  	_ =	shalt  }
0x55: {  	_ =	shalt  }
0x56: {  	_ =	shalt  }
0x57: {  	_ =	shalt  }
0x58: {  	_ =	shalt  }
0x59: {  	_ =	shalt  }
0x5a: {  	_ =	shalt  }
0x5b: {  	_ =	shalt  }
0x5c: {  	_ =	shalt  }
0x5d: {  	_ =	shalt  }
0x5e: {  	_ =	shalt  }
0x5f: {  	_ =	shalt  }
0x60: {  	_ =	shalt  }
0x61: {  	_ =	shalt  }
0x62: {  	_ =	shalt  }
0x63: {  	_ =	shalt  }
0x64: {  	_ =	shalt  }
0x65: {  	_ =	shalt  }
0x66: {  	_ =	shalt  }
0x67: {  	_ =	shalt  }
0x68: {  	_ =	shalt  }
0x69: {  	_ =	shalt  }
0x6a: {  	_ =	shalt  }
0x6b: {  	_ =	shalt  }
0x6c: {  	_ =	shalt  }
0x6d: {  	_ =	shalt  }
0x6e: {  	_ =	shalt  }
0x6f: {  	_ =	shalt  }
0x70: {  	_ =	shalt  }
0x71: {  	_ =	shalt  }
0x72: {  	_ =	shalt  }
0x73: {  	_ =	shalt  }
0x74: {  	_ =	shalt  }
0x75: {  	_ =	shalt  }
0x76: {  	_ =	shalt  }
0x77: {  	_ =	shalt  }
0x78: {  	_ =	shalt  }
0x79: {  	_ =	shalt  }
0x7a: {  	_ =	shalt  }
0x7b: {  	_ =	shalt  }
0x7c: {  	_ =	shalt  }
0x7d: {  	_ =	shalt  }
0x7e: {  	_ =	shalt  }
0x7f: {  	_ =	shalt  }
0x80: {  	_ =	shalt  }
0x81: {  	_ =	shalt  }
0x82: {  	_ =	shalt  }
0x83: {  	_ =	shalt  }
0x84: {  	_ =	shalt  }
0x85: {  	_ =	shalt  }
0x86: {  	_ =	shalt  }
0x87: {  	_ =	shalt  }
.Lfunc_end0:
.L_simem_size_0:
called_computation_lowered:
.L_overlay_start_0:
0x88: {  	s2 =	sld [smem:$0x3FD9]  }
0x89: {  	s3 =	sld [smem:$0x3FFE];
	_ =	sdelay $0x1  }
0x8a: {  	s1 =	srdreg.scid  }
0x8b: {  	s0 =	sand.u32 $0x1, s1  }
0x8c: {  	s17 =	sshll.u32 s0, $0xA;
	s2 =	sadd.s32 s3, s2  }
0x8d: {  	s2 =	sadd.s32 s2, s17  }
0x8e: {  	[smem:$0x3FC6] =	sst s2  }
0x8f: {  	_ = 	snop  }
0x90: {  	s2 =	sld [smem:$0x3FC8]  }
0x91: {  	s18 =	sld [smem:$0x3FD0];
	(tm) =	ssettm $0x1  }
0x92: {  	s4 =	sld [smem:$0x3FFB];
	_ =	sdelay $0x3  }
0x93: {  	_ =	strace s4  }
0x94: {  	s4 =	sld [smem:$0x3FFC];
	_ =	sdelay $0x3  }
0x95: {  	_ =	strace s4  }
0x96: {  	s4 =	sld [smem:$0x3FFD];
	_ =	sdelay $0x3  }
0x97: {  	_ =	strace s4  }
0x98: {  	_ =	strace $0x8FFFFFFF  }
0x99: {  	s19 =	sld [smem:$0x3FDB];
	_ =	sdelay $0x1  }
0x9a: {  	s5 =	simm.s32 $_scs_section_size  }
0x9b: {  	s6 =	simm.s32 $_size__tile_overlayer_lowered;
	s7 =	simm.s32 $_tile_overlayer_lowered  }
0x9c: {  	s22 =	simm.s32 $0x1BFF;
	s21 =	sshll.u32 s7, $0x1;
	s4 =	sadd.s32 s5, s19  }
0x9d: {  	s8 =	simm.s32 $0x0;
	s20 =	sshll.u32 s6, $0x1;
	s6 =	sadd.s32 s21, s4  }
0x9e: {  	[timem:s8], [sflag:s22] =	dma.local [hbm:s6], s20  }
0x9f: {  	_ =	swait.ge [sflag:s22], s20  }
0xa0: {  	s5 =	ssub.s32 $0x0, s20;
	[sflag:s22] =	ssyncset.done $0x0  }
0xa1: {  	[sflag:s22] =	ssyncadd.s32 s5;
	_ =	sdelay $0x1  }
0xa2: {  	s23 =	simm.s32 $0x1B8B  }
0xa3: {  	_ =	swait.ge [sflag:s23], $0x1  }
0xa4: {  	[sflag:s23] =	ssyncset.done $0x0  }
0xa5: {  	s25 =	simm.s32 $0x1B8E;
	s24 =	sld [smem:$0x3FFE];
	[sflag:s23] =	ssyncadd.s32 $0xFFFFFFFF  }
0xa6: {  	s26 =	simm.s32 $execute0_lowered;
	[smem:$0x3FD2] =	sst s25  }
0xa7: {  	s6 =	sshll.u32 s26, $0x1;
	_ =	strace $0x80000046;
	[dreg:$0x1] =	wrdreg $0xFFFFFFFF  }
0xa8: {  	s28 =	simm.s32 $_size_execute0_lowered;
	s4 =	sadd.s32 s4, s6;
	[dreg:$0x0] =	wrdreg $0x0  }
0xa9: {  	s6 =	sshll.u32 s28, $0x1;
	[dreg:$0x2] =	wrdreg s4  }
0xaa: {  	[dreg:$0x3] =	wrdreg s6  }
0xab: {  	[dreg:$0x4] =	wrdreg $0xC0  }
0xac: {  	_ =	task [dreg:s8], $0x5FFFF  }
0xad: {  	[dreg:$0x1] =	wrdreg $0xFFFFFFFF  }
0xae: {  	[dreg:$0x0] =	wrdreg $0x60  }
0xaf: {  	[dreg:$0x2] =	wrdreg s24  }
0xb0: {  	[dreg:$0x3] =	wrdreg s2  }
0xb1: {  	[dreg:$0x4] =	wrdreg s18  }
0xb2: {  	[dreg:$0x5] =	wrdreg $0x9  }
0xb3: {  	_ =	task.clear_ibuf [dreg:s8], $0x6FFFF;
	_ =	strace $0x90000046  }
0xb4: {  	s29 =	simm.s32 $0x9;
	_ =	strace $0x80000048  }
0xb5: {  	_ =	swait.ge [sflag:s29], $0x1  }
0xb6: {  	[sflag:s29] =	ssyncadd.s32 $0xFFFFFFFF  }
0xb7: {  	_ =	strace $0x90000048  }
0xb8: {  	_ =	sfence  }
0xb9: {  	s30 =	sld [smem:$0x0];
	_ =	sdelay $0x2  }
0xba: {  	s31 =	sshll.u32 s1, $0xD;
	s1 =	sshrl.u32 s1, $0x2  }
0xbb: {  	s3 =	sand.u32 $0x4000, s31;
	s1 =	sadd.s32 s1, s30  }
0xbc: {  	s0 =	sor.u32 s3, s0;
	s1 =	sshll.u32 s1, $0x11  }
0xbd: {  	s0 =	sor.u32 s1, s0  }
0xbe: {  	s0 =	sadd.s32 $0x8F2B, s0  }
0xbf: {  	[sflag:s0] =	ssyncadd.remote.s32 $0x1  }
0xc0: {  	_ =	sfence.sel $0xFFFF  }
0xc1: {  	[dreg:$0x0] =	wrdreg $0xFFFFFFFF;
	(pc) =	sbr.abs _section_cstart, $3  }
0xc2: {  	[dreg:$0x1] =	wrdreg $0xFFFFFFFF  }
0xc3: {  	_ =	task.clear_ibuf [dreg:s8], $0x2FFFF;
	_ =	strace $0x9FFFFFFF  }
0xc4: {  	(tm) =	ssettm $0x7FFFFFFF  }
0xc5: {  	_ =	shalt  }
tec
execute0_lowered:
.L_overlay_start_1:
0x0: {  	(tag) =	ssettag $0x1  }
0x1: {  	s0 =	rddreg [dreg:$0x0]  }
0x2: {  	s1 =	srdreg.scid;
	s2 =	rddreg [dreg:$0x1]  }
0x3: {  	s3 =	stileid.u32;
	s7 =	rddreg [dreg:$0x2];
	s11 =	simm.s32 $0x5  }
0x4: {  	s12 =	simm.s32 $0x200;
	s29 =	simm.s32 $0x8200;
	s24 =	simm.s32 $0x1  }
0x5: {  	s22 =	simm.s32 $0x2;
	s23 =	simm.s32 $0x3;
	s25 =	simm.s32 $0x4  }
0x6: {  	s26 =	simm.s32 $0x0;
	s1 =	sand.u32 $0x1, s1;
	s4 =	sshll.u32 s3, $0xA  }
0x7: {  	s3 =	simm.s32 $0x0;
	s6 =	sadd.s32 $0x200, s2;
	s8 =	sadd.s32 $0x300, s2  }
0x8: {  	s5 =	sshll.u32 s1, $0x9;
	[smem:$0x7FF] =	sst s3;
	s1 =	ssub.s32 $0x2, s1  }
0x9: {  	s5 =	sor.u32 s5, s4;
	_ =	strace $0x80000047;
	s30 =	sshrl.u32 s1, $0x1  }
0xa: {  	v2 =	vlaneseq.u32;
	s4 =	sshrl.u32 s5, $0x3;
	s1 =	ssub.s32 s1, s30;
	s31 =	sshll.u32 s5, $0x7  }
0xb: {  	vm0 =	vmmov $0xffff;
	v1 =	vshrl.u32 v2, $0x3;
	s5 =	sadd.s32 $0x100, s2;
	s0 =	sadd.s32 s4, s0;
	s7 =	sadd.s32 s7, s31  }
0xc: {  	v0 =	vand.u32 $0x7, v2;
	v2 =	vor.u32 $0x8, v2;
	v1 =	vmul.u32 $0x8, v1;
	s10 =	smax.u32 s1, $0x1;
	s4 =	sadd.s32 $0x400, s0;
	s9 =	sadd.s32 $0x1000, s7  }
.LBB2_1:
0xd: {  	[tilespmem:s3], [sflag:$0x5] =	stream.linear.gather [hbm4b:s4+s3], $0x200, $0x38;
	[tilespmem:$0x18200] =	vst v63  }
0xe: {  	_ =	swait.ge [sflag:s11], $0x200  }
0xf: {  	[sflag:s11] =	ssyncset.done $0x0  }
0x10: {  	[sflag:s11] =	ssyncadd.s32 $0xFFFFFE00  }
0x11: {  	v3 =	vld [tilespmem:$0x0];
	_ =	sdelay $0x4  }
0x12: {  	v4 =	vshll.u32 v3, $0x3  }
0x13: {  	v3 =	vand.u32 $0x7, v3;
	v4 =	vand.u32 $0xFFFFFFC0, v4  }
0x14: {  	v3 =	vor.u32 v3, v4  }
0x15: {  	v4 =	vperm.xlane v3, v0;
	_ =	sdelay $0x1  }
0x16: {  	v4 =	vadd.s32 v1, v4;
	_ =	sdelay $0x4  }
0x17: {  	[tilespmem:s12], [sflag:$0x1] =	stream.indirect_vreg.gather [hbm4b:s2+s3], $0x80, v4, vm0, $0xb8;
	[tilespmem:$0x18200] =	vst v63  }
0x18: {  	s0 =	simm.s32 $0xA00;
	v3 =	vperm.xlane v3, v2  }
0x19: {  	[tilespmem:s0], [sflag:$0x1] =	stream.indirect_vreg.gather [hbm4b:s5+s3], $0x80, v4, vm0, $0xb8;
	[tilespmem:$0x18200] =	vst v63  }
0x1a: {  	s19 =	simm.s32 $0x1200;
	v3 =	vadd.s32 v1, v3  }
0x1b: {  	[tilespmem:s19], [sflag:$0x1] =	stream.indirect_vreg.gather [hbm4b:s6+s3], $0x80, v4, vm0, $0xb8;
	[tilespmem:$0x18200] =	vst v63  }
0x1c: {  	s20 =	simm.s32 $0x1A00  }
0x1d: {  	[tilespmem:s20], [sflag:$0x1] =	stream.indirect_vreg.gather [hbm4b:s8+s3], $0x80, v4, vm0, $0xb8;
	[tilespmem:$0x18200] =	vst v63  }
0x1e: {  	s21 =	simm.s32 $0x2200  }
0x1f: {  	[tilespmem:s21], [sflag:$0x1] =	stream.indirect_vreg.gather [hbm4b:s2+s3], $0x80, v3, vm0, $0xb8;
	[tilespmem:$0x18200] =	vst v63  }
0x20: {  	s28 =	simm.s32 $0x2A00  }
0x21: {  	[tilespmem:s28], [sflag:$0x1] =	stream.indirect_vreg.gather [hbm4b:s5+s3], $0x80, v3, vm0, $0xb8;
	[tilespmem:$0x18200] =	vst v63  }
0x22: {  	s30 =	simm.s32 $0x3200  }
0x23: {  	[tilespmem:s30], [sflag:$0x1] =	stream.indirect_vreg.gather [hbm4b:s6+s3], $0x80, v3, vm0, $0xb8;
	[tilespmem:$0x18200] =	vst v63  }
0x24: {  	s31 =	simm.s32 $0x3A00  }
0x25: {  	[tilespmem:s31], [sflag:$0x1] =	stream.indirect_vreg.gather [hbm4b:s8+s3], $0x80, v3, vm0, $0xb8;
	[tilespmem:$0x18200] =	vst v63  }
0x26: {  	v3 =	vld [tilespmem:$0x10];
	_ =	sdelay $0x4  }
0x27: {  	v4 =	vshll.u32 v3, $0x3  }
0x28: {  	v3 =	vand.u32 $0x7, v3;
	v4 =	vand.u32 $0xFFFFFFC0, v4  }
0x29: {  	v3 =	vor.u32 v3, v4  }
0x2a: {  	v4 =	vperm.xlane v3, v0;
	_ =	sdelay $0x1  }
0x2b: {  	v4 =	vadd.s32 v1, v4;
	_ =	sdelay $0x3  }
0x2c: {  	s1 =	simm.s32 $0x4200  }
0x2d: {  	[tilespmem:s1], [sflag:$0x1] =	stream.indirect_vreg.gather [hbm4b:s2+s3], $0x80, v4, vm0, $0xb8;
	[tilespmem:$0x18200] =	vst v63  }
0x2e: {  	s13 =	simm.s32 $0x4A00;
	v3 =	vperm.xlane v3, v2  }
0x2f: {  	[tilespmem:s13], [sflag:$0x1] =	stream.indirect_vreg.gather [hbm4b:s5+s3], $0x80, v4, vm0, $0xb8;
	[tilespmem:$0x18200] =	vst v63  }
0x30: {  	s14 =	simm.s32 $0x5200;
	v3 =	vadd.s32 v1, v3  }
0x31: {  	[tilespmem:s14], [sflag:$0x1] =	stream.indirect_vreg.gather [hbm4b:s6+s3], $0x80, v4, vm0, $0xb8;
	[tilespmem:$0x18200] =	vst v63  }
0x32: {  	s15 =	simm.s32 $0x5A00  }
0x33: {  	[tilespmem:s15], [sflag:$0x1] =	stream.indirect_vreg.gather [hbm4b:s8+s3], $0x80, v4, vm0, $0xb8;
	[tilespmem:$0x18200] =	vst v63  }
0x34: {  	s16 =	simm.s32 $0x6200  }
0x35: {  	[tilespmem:s16], [sflag:$0x1] =	stream.indirect_vreg.gather [hbm4b:s2+s3], $0x80, v3, vm0, $0xb8;
	[tilespmem:$0x18200] =	vst v63  }
0x36: {  	s17 =	simm.s32 $0x6A00  }
0x37: {  	[tilespmem:s17], [sflag:$0x1] =	stream.indirect_vreg.gather [hbm4b:s5+s3], $0x80, v3, vm0, $0xb8;
	[tilespmem:$0x18200] =	vst v63  }
0x38: {  	s18 =	simm.s32 $0x7200  }
0x39: {  	[tilespmem:s18], [sflag:$0x1] =	stream.indirect_vreg.gather [hbm4b:s6+s3], $0x80, v3, vm0, $0xb8;
	[tilespmem:$0x18200] =	vst v63  }
0x3a: {  	s19 =	simm.s32 $0x7A00  }
0x3b: {  	[tilespmem:s19], [sflag:$0x1] =	stream.indirect_vreg.gather [hbm4b:s8+s3], $0x80, v3, vm0, $0xb8;
	[tilespmem:$0x18200] =	vst v63  }
0x3c: {  	v3 =	vld [tilespmem:$0x20];
	_ =	sdelay $0x4  }
0x3d: {  	v4 =	vshll.u32 v3, $0x3  }
0x3e: {  	v3 =	vand.u32 $0x7, v3;
	v4 =	vand.u32 $0xFFFFFFC0, v4  }
0x3f: {  	v3 =	vor.u32 v3, v4  }
0x40: {  	v4 =	vperm.xlane v3, v0;
	_ =	sdelay $0x1  }
0x41: {  	v4 =	vadd.s32 v1, v4;
	_ =	sdelay $0x4  }
0x42: {  	[tilespmem:s29], [sflag:$0x2] =	stream.indirect_vreg.gather [hbm4b:s2+s3], $0x80, v4, vm0, $0xb8;
	[tilespmem:$0x18200] =	vst v63  }
0x43: {  	s20 =	simm.s32 $0x8A00;
	v3 =	vperm.xlane v3, v2  }
0x44: {  	[tilespmem:s20], [sflag:$0x2] =	stream.indirect_vreg.gather [hbm4b:s5+s3], $0x80, v4, vm0, $0xb8;
	[tilespmem:$0x18200] =	vst v63  }
0x45: {  	s21 =	simm.s32 $0x9200;
	v3 =	vadd.s32 v1, v3  }
0x46: {  	[tilespmem:s21], [sflag:$0x2] =	stream.indirect_vreg.gather [hbm4b:s6+s3], $0x80, v4, vm0, $0xb8;
	[tilespmem:$0x18200] =	vst v63  }
0x47: {  	s28 =	simm.s32 $0x9A00  }
0x48: {  	[tilespmem:s28], [sflag:$0x2] =	stream.indirect_vreg.gather [hbm4b:s8+s3], $0x80, v4, vm0, $0xb8;
	[tilespmem:$0x18200] =	vst v63  }
0x49: {  	s30 =	simm.s32 $0xA200  }
0x4a: {  	[tilespmem:s30], [sflag:$0x2] =	stream.indirect_vreg.gather [hbm4b:s2+s3], $0x80, v3, vm0, $0xb8;
	[tilespmem:$0x18200] =	vst v63  }
0x4b: {  	s31 =	simm.s32 $0xAA00  }
0x4c: {  	[tilespmem:s31], [sflag:$0x2] =	stream.indirect_vreg.gather [hbm4b:s5+s3], $0x80, v3, vm0, $0xb8;
	[tilespmem:$0x18200] =	vst v63  }
0x4d: {  	s1 =	simm.s32 $0xB200  }
0x4e: {  	[tilespmem:s1], [sflag:$0x2] =	stream.indirect_vreg.gather [hbm4b:s6+s3], $0x80, v3, vm0, $0xb8;
	[tilespmem:$0x18200] =	vst v63  }
0x4f: {  	s13 =	simm.s32 $0xBA00  }
0x50: {  	[tilespmem:s13], [sflag:$0x2] =	stream.indirect_vreg.gather [hbm4b:s8+s3], $0x80, v3, vm0, $0xb8;
	[tilespmem:$0x18200] =	vst v63  }
0x51: {  	v3 =	vld [tilespmem:$0x30];
	_ =	sdelay $0x4  }
0x52: {  	v4 =	vshll.u32 v3, $0x3  }
0x53: {  	v3 =	vand.u32 $0x7, v3;
	v4 =	vand.u32 $0xFFFFFFC0, v4  }
0x54: {  	v3 =	vor.u32 v3, v4  }
0x55: {  	v4 =	vperm.xlane v3, v0;
	_ =	sdelay $0x1  }
0x56: {  	v4 =	vadd.s32 v1, v4;
	_ =	sdelay $0x3  }
0x57: {  	s14 =	simm.s32 $0xC200  }
0x58: {  	[tilespmem:s14], [sflag:$0x2] =	stream.indirect_vreg.gather [hbm4b:s2+s3], $0x80, v4, vm0, $0xb8;
	[tilespmem:$0x18200] =	vst v63  }
0x59: {  	s15 =	simm.s32 $0xCA00;
	v3 =	vperm.xlane v3, v2  }
0x5a: {  	[tilespmem:s15], [sflag:$0x2] =	stream.indirect_vreg.gather [hbm4b:s5+s3], $0x80, v4, vm0, $0xb8;
	[tilespmem:$0x18200] =	vst v63  }
0x5b: {  	s16 =	simm.s32 $0xD200;
	v3 =	vadd.s32 v1, v3  }
0x5c: {  	[tilespmem:s16], [sflag:$0x2] =	stream.indirect_vreg.gather [hbm4b:s6+s3], $0x80, v4, vm0, $0xb8;
	[tilespmem:$0x18200] =	vst v63  }
0x5d: {  	s17 =	simm.s32 $0xDA00  }
0x5e: {  	[tilespmem:s17], [sflag:$0x2] =	stream.indirect_vreg.gather [hbm4b:s8+s3], $0x80, v4, vm0, $0xb8;
	[tilespmem:$0x18200] =	vst v63  }
0x5f: {  	s18 =	simm.s32 $0xE200  }
0x60: {  	[tilespmem:s18], [sflag:$0x2] =	stream.indirect_vreg.gather [hbm4b:s2+s3], $0x80, v3, vm0, $0xb8;
	[tilespmem:$0x18200] =	vst v63  }
0x61: {  	s19 =	simm.s32 $0xEA00  }
0x62: {  	[tilespmem:s19], [sflag:$0x2] =	stream.indirect_vreg.gather [hbm4b:s5+s3], $0x80, v3, vm0, $0xb8;
	[tilespmem:$0x18200] =	vst v63  }
0x63: {  	s20 =	simm.s32 $0xF200  }
0x64: {  	[tilespmem:s20], [sflag:$0x2] =	stream.indirect_vreg.gather [hbm4b:s6+s3], $0x80, v3, vm0, $0xb8;
	[tilespmem:$0x18200] =	vst v63  }
0x65: {  	s21 =	simm.s32 $0xFA00  }
0x66: {  	[tilespmem:s21], [sflag:$0x2] =	stream.indirect_vreg.gather [hbm4b:s8+s3], $0x80, v3, vm0, $0xb8;
	[tilespmem:$0x18200] =	vst v63  }
0x67: {  	s28 =	sand.u32 $0x6000, s3;
	s1 =	sand.u32 $0x1C00, s3;
	_ =	swait.ge [sflag:s24], $0x8000  }
0x68: {  	s0 =	sor.u32 s1, s28;
	s13 =	sand.u32 $0x380, s3;
	[sflag:s24] =	ssyncset.done $0x0  }
0x69: {  	s1 =	sor.u32 s0, s13;
	[sflag:s24] =	ssyncadd.s32 $0xFFFF8000  }
0x6a: {  	v3 =	vld [tilespmem:s1+$0x270]  }
0x6b: {  	v4 =	vld [tilespmem:s1+$0x200]  }
0x6c: {  	v5 =	vld [tilespmem:s1+$0x210]  }
0x6d: {  	v9 =	vld [tilespmem:s1+$0x240]  }
0x6e: {  	s30 =	simm.s32 $0x400;
	s31 =	simm.s32 $0x80;
	v6 =	vld [tilespmem:s1+$0x220]  }
0x6f: {  	s13 =	sand.u32 $0x6000, s31;
	s0 =	sand.u32 $0x1C00, s30;
	s14 =	simm.s32 $0x10;
	v8 =	vld [tilespmem:s1+$0x230];
	v3 =	vmul.f32 $3.200000000e+01, v3  }
0x70: {  	s0 =	sor.u32 s0, s13;
	s14 =	sand.u32 $0x380, s14;
	v10 =	vld [tilespmem:s1+$0x250];
	v4 =	vmul.f32 $3.200000000e+01, v4  }
0x71: {  	s0 =	sor.u32 s0, s14;
	v12 =	vld [tilespmem:s1+$0x260];
	v11 =	vmul.f32 $3.200000000e+01, v5;
	[tilespmem:s1+$0x270] =	vst v3  }
0x72: {  	v7 =	vld [tilespmem:s0+$0x270];
	v9 =	vmul.f32 $3.200000000e+01, v9;
	[tilespmem:s1+$0x200] =	vst v4  }
0x73: {  	v5 =	vld [tilespmem:s0+$0x200];
	v3 =	vmul.f32 $3.200000000e+01, v6;
	[tilespmem:s1+$0x210] =	vst v11  }
0x74: {  	v4 =	vmul.f32 $3.200000000e+01, v8;
	v6 =	vld [tilespmem:s0+$0x210];
	[tilespmem:s1+$0x240] =	vst v9  }
0x75: {  	s13 =	simm.s32 $0x8;
	v8 =	vmul.f32 $3.200000000e+01, v10;
	[tilespmem:s1+$0x220] =	vst v3;
	v3 =	vld [tilespmem:s0+$0x220]  }
0x76: {  	s14 =	simm.s32 $0x20;
	s15 =	simm.s32 $0x800;
	s16 =	simm.s32 $0x100;
	v9 =	vmul.f32 $3.200000000e+01, v12;
	[tilespmem:s1+$0x230] =	vst v4;
	v4 =	vld [tilespmem:s0+$0x230]  }
.LBB2_2:
0x77: {  	s17 =	sand.u32 $0x6000, s16;
	s18 =	sand.u32 $0x1C00, s15;
	s13 =	sadd.s32 $0x8, s13;
	v10 =	vld [tilespmem:s0+$0x240];
	v7 =	vmul.f32 $3.200000000e+01, v7;
	[tilespmem:s1+$0x250] =	vst v8  }
0x78: {  	s28 =	sand.u32 $0x380, s14;
	s17 =	sor.u32 s18, s17;
	p0 =	slt.u32 s13, $0x7F8;
	v5 =	vmul.f32 $3.200000000e+01, v5;
	v8 =	vld [tilespmem:s0+$0x250];
	[tilespmem:s1+$0x260] =	vst v9  }
0x79: {  	s1 =	smov.u32 s0;
	v6 =	vmul.f32 $3.200000000e+01, v6;
	v9 =	vld [tilespmem:s0+$0x260];
	[tilespmem:s0+$0x270] =	vst v7;
	s0 =	sor.u32 s17, s28  }
.Ltmp0:
0x7a: {  	v7 =	vld [tilespmem:s0+$0x270];
	[tilespmem:s1+$0x200] =	vst v5;
	v3 =	vmul.f32 $3.200000000e+01, v3;
	(pc) =	sbr.rel @p0 .LBB2_2-.Ltmp0, $4  }
0x7b: {  	v5 =	vld [tilespmem:s0+$0x200];
	[tilespmem:s1+$0x210] =	vst v6;
	v4 =	vmul.f32 $3.200000000e+01, v4  }
0x7c: {  	v6 =	vld [tilespmem:s0+$0x210];
	[tilespmem:s1+$0x220] =	vst v3;
	v10 =	vmul.f32 $3.200000000e+01, v10  }
0x7d: {  	v3 =	vld [tilespmem:s0+$0x220];
	[tilespmem:s1+$0x230] =	vst v4;
	v8 =	vmul.f32 $3.200000000e+01, v8  }
0x7e: {  	s14 =	sadd.s32 $0x10, s14;
	s15 =	sadd.s32 $0x400, s15;
	s16 =	sadd.s32 $0x80, s16;
	v4 =	vld [tilespmem:s0+$0x230];
	[tilespmem:s1+$0x240] =	vst v10;
	v9 =	vmul.f32 $3.200000000e+01, v9  }
0x7f: {  	v10 =	vld [tilespmem:s0+$0x240];
	v7 =	vmul.f32 $3.200000000e+01, v7;
	[tilespmem:s1+$0x250] =	vst v8  }
0x80: {  	v8 =	vld [tilespmem:s0+$0x250];
	v5 =	vmul.f32 $3.200000000e+01, v5;
	[tilespmem:s1+$0x260] =	vst v9  }
0x81: {  	v9 =	vld [tilespmem:s0+$0x260];
	v6 =	vmul.f32 $3.200000000e+01, v6;
	[tilespmem:s0+$0x270] =	vst v7  }
0x82: {  	[tilespmem:s0+$0x200] =	vst v5;
	v3 =	vmul.f32 $3.200000000e+01, v3  }
0x83: {  	[tilespmem:s0+$0x210] =	vst v6;
	v4 =	vmul.f32 $3.200000000e+01, v4  }
0x84: {  	[tilespmem:s0+$0x220] =	vst v3;
	v3 =	vmul.f32 $3.200000000e+01, v10  }
0x85: {  	[tilespmem:s0+$0x230] =	vst v4;
	v4 =	vmul.f32 $3.200000000e+01, v8  }
0x86: {  	[tilespmem:s0+$0x240] =	vst v3;
	v3 =	vmul.f32 $3.200000000e+01, v9  }
0x87: {  	[tilespmem:s0+$0x250] =	vst v4  }
0x88: {  	[tilespmem:s0+$0x260] =	vst v3;
	s0 =	simm.s32 $0x0  }
0x89: {  	[hbm4b:s7+s0] =	stream.linear.scatter [tilespmem:s12], [sflag:$0x3], $0x8000, $0x38;
	[tilespmem:$0x18200] =	vst v63  }
0x8a: {  	v3 =	vld [tilespmem:$0x40];
	_ =	sdelay $0x4  }
0x8b: {  	v4 =	vshll.u32 v3, $0x3  }
0x8c: {  	v3 =	vand.u32 $0x7, v3;
	v4 =	vand.u32 $0xFFFFFFC0, v4  }
0x8d: {  	v3 =	vor.u32 v3, v4  }
0x8e: {  	v4 =	vperm.xlane v3, v0;
	_ =	sdelay $0x1  }
0x8f: {  	v4 =	vadd.s32 v1, v4;
	_ =	sdelay $0x3  }
0x90: {  	s18 =	simm.s32 $0x10200  }
0x91: {  	[tilespmem:s18], [sflag:$0x1] =	stream.indirect_vreg.gather [hbm4b:s2+s0], $0x80, v4, vm0, $0xb8;
	[tilespmem:$0x18200] =	vst v63  }
0x92: {  	s19 =	simm.s32 $0x10A00;
	v3 =	vperm.xlane v3, v2  }
0x93: {  	[tilespmem:s19], [sflag:$0x1] =	stream.indirect_vreg.gather [hbm4b:s5+s0], $0x80, v4, vm0, $0xb8;
	[tilespmem:$0x18200] =	vst v63  }
0x94: {  	s20 =	simm.s32 $0x11200;
	v3 =	vadd.s32 v1, v3  }
0x95: {  	[tilespmem:s20], [sflag:$0x1] =	stream.indirect_vreg.gather [hbm4b:s6+s0], $0x80, v4, vm0, $0xb8;
	[tilespmem:$0x18200] =	vst v63  }
0x96: {  	s21 =	simm.s32 $0x11A00  }
0x97: {  	[tilespmem:s21], [sflag:$0x1] =	stream.indirect_vreg.gather [hbm4b:s8+s0], $0x80, v4, vm0, $0xb8;
	[tilespmem:$0x18200] =	vst v63  }
0x98: {  	s28 =	simm.s32 $0x12200  }
0x99: {  	[tilespmem:s28], [sflag:$0x1] =	stream.indirect_vreg.gather [hbm4b:s2+s0], $0x80, v3, vm0, $0xb8;
	[tilespmem:$0x18200] =	vst v63  }
0x9a: {  	s30 =	simm.s32 $0x12A00  }
0x9b: {  	[tilespmem:s30], [sflag:$0x1] =	stream.indirect_vreg.gather [hbm4b:s5+s0], $0x80, v3, vm0, $0xb8;
	[tilespmem:$0x18200] =	vst v63  }
0x9c: {  	s31 =	simm.s32 $0x13200  }
0x9d: {  	[tilespmem:s31], [sflag:$0x1] =	stream.indirect_vreg.gather [hbm4b:s6+s0], $0x80, v3, vm0, $0xb8;
	[tilespmem:$0x18200] =	vst v63  }
0x9e: {  	s13 =	simm.s32 $0x13A00  }
0x9f: {  	[tilespmem:s13], [sflag:$0x1] =	stream.indirect_vreg.gather [hbm4b:s8+s0], $0x80, v3, vm0, $0xb8;
	[tilespmem:$0x18200] =	vst v63  }
0xa0: {  	v3 =	vld [tilespmem:$0x50];
	_ =	sdelay $0x4  }
0xa1: {  	v4 =	vshll.u32 v3, $0x3  }
0xa2: {  	v3 =	vand.u32 $0x7, v3;
	v4 =	vand.u32 $0xFFFFFFC0, v4  }
0xa3: {  	v3 =	vor.u32 v3, v4  }
0xa4: {  	v4 =	vperm.xlane v3, v0;
	_ =	sdelay $0x1  }
0xa5: {  	v4 =	vadd.s32 v1, v4;
	_ =	sdelay $0x3  }
0xa6: {  	s14 =	simm.s32 $0x14200  }
0xa7: {  	[tilespmem:s14], [sflag:$0x1] =	stream.indirect_vreg.gather [hbm4b:s2+s0], $0x80, v4, vm0, $0xb8;
	[tilespmem:$0x18200] =	vst v63  }
0xa8: {  	s15 =	simm.s32 $0x14A00;
	v3 =	vperm.xlane v3, v2  }
0xa9: {  	[tilespmem:s15], [sflag:$0x1] =	stream.indirect_vreg.gather [hbm4b:s5+s0], $0x80, v4, vm0, $0xb8;
	[tilespmem:$0x18200] =	vst v63  }
0xaa: {  	s16 =	simm.s32 $0x15200;
	v3 =	vadd.s32 v1, v3  }
0xab: {  	[tilespmem:s16], [sflag:$0x1] =	stream.indirect_vreg.gather [hbm4b:s6+s0], $0x80, v4, vm0, $0xb8;
	[tilespmem:$0x18200] =	vst v63  }
0xac: {  	s17 =	simm.s32 $0x15A00  }
0xad: {  	[tilespmem:s17], [sflag:$0x1] =	stream.indirect_vreg.gather [hbm4b:s8+s0], $0x80, v4, vm0, $0xb8;
	[tilespmem:$0x18200] =	vst v63  }
0xae: {  	s18 =	simm.s32 $0x16200  }
0xaf: {  	[tilespmem:s18], [sflag:$0x1] =	stream.indirect_vreg.gather [hbm4b:s2+s0], $0x80, v3, vm0, $0xb8;
	[tilespmem:$0x18200] =	vst v63  }
0xb0: {  	s19 =	simm.s32 $0x16A00  }
0xb1: {  	[tilespmem:s19], [sflag:$0x1] =	stream.indirect_vreg.gather [hbm4b:s5+s0], $0x80, v3, vm0, $0xb8;
	[tilespmem:$0x18200] =	vst v63  }
0xb2: {  	s20 =	simm.s32 $0x17200;
	s28 =	simm.s32 $0x0  }
0xb3: {  	[tilespmem:s20], [sflag:$0x1] =	stream.indirect_vreg.gather [hbm4b:s6+s0], $0x80, v3, vm0, $0xb8;
	[tilespmem:$0x18200] =	vst v63  }
0xb4: {  	s21 =	simm.s32 $0x17A00;
	s1 =	sand.u32 $0x6000, s28  }
0xb5: {  	[tilespmem:s21], [sflag:$0x1] =	stream.indirect_vreg.gather [hbm4b:s8+s0], $0x80, v3, vm0, $0xb8;
	[tilespmem:$0x18200] =	vst v63  }
0xb6: {  	s13 =	simm.s32 $0x0;
	s0 =	sand.u32 $0x1C00, s0;
	_ =	swait.ge [sflag:s22], $0x8000  }
0xb7: {  	s13 =	sand.u32 $0x380, s13;
	s0 =	sor.u32 s0, s1;
	[sflag:s22] =	ssyncset.done $0x0  }
0xb8: {  	s1 =	sor.u32 s13, s0;
	[sflag:s22] =	ssyncadd.s32 $0xFFFF8000  }
0xb9: {  	v3 =	vld [tilespmem:s1+$0x8270]  }
0xba: {  	v4 =	vld [tilespmem:s1+$0x8200]  }
0xbb: {  	v5 =	vld [tilespmem:s1+$0x8210]  }
0xbc: {  	v6 =	vld [tilespmem:s1+$0x8220]  }
0xbd: {  	s30 =	simm.s32 $0x80;
	s13 =	simm.s32 $0x400;
	v8 =	vld [tilespmem:s1+$0x8230]  }
0xbe: {  	s15 =	simm.s32 $0x10;
	s0 =	sand.u32 $0x6000, s30;
	s14 =	sand.u32 $0x1C00, s13;
	v10 =	vld [tilespmem:s1+$0x8240];
	v3 =	vmul.f32 $3.200000000e+01, v3  }
0xbf: {  	s31 =	sand.u32 $0x380, s15;
	s0 =	sor.u32 s14, s0;
	v7 =	vld [tilespmem:s1+$0x8250];
	v4 =	vmul.f32 $3.200000000e+01, v4  }
0xc0: {  	s0 =	sor.u32 s31, s0;
	v9 =	vmul.f32 $3.200000000e+01, v5;
	v5 =	vld [tilespmem:s1+$0x8260];
	[tilespmem:s1+$0x8270] =	vst v3  }
0xc1: {  	v11 =	vmul.f32 $3.200000000e+01, v6;
	v3 =	vld [tilespmem:s0+$0x8270];
	[tilespmem:s1+$0x8200] =	vst v4  }
0xc2: {  	v4 =	vld [tilespmem:s0+$0x8200];
	[tilespmem:s1+$0x8210] =	vst v9;
	v9 =	vmul.f32 $3.200000000e+01, v8  }
0xc3: {  	s14 =	simm.s32 $0x8;
	v6 =	vld [tilespmem:s0+$0x8210];
	[tilespmem:s1+$0x8220] =	vst v11;
	v8 =	vmul.f32 $3.200000000e+01, v10  }
.LBB2_4:
0xc4: {  	s14 =	sadd.s32 $0x8, s14;
	v10 =	vld [tilespmem:s0+$0x8220];
	[tilespmem:s1+$0x8230] =	vst v9;
	v7 =	vmul.f32 $3.200000000e+01, v7  }
0xc5: {  	s13 =	sadd.s32 $0x400, s13;
	s15 =	sshll.u32 s14, $0x4;
	p0 =	slt.u32 s14, $0x7F8;
	v9 =	vld [tilespmem:s0+$0x8230];
	[tilespmem:s1+$0x8240] =	vst v8;
	v5 =	vmul.f32 $3.200000000e+01, v5  }
0xc6: {  	s16 =	sand.u32 $0x1C00, s13;
	s17 =	sshll.u32 s14, $0x1;
	s15 =	sand.u32 $0x6000, s15;
	v8 =	vld [tilespmem:s0+$0x8240];
	v3 =	vmul.f32 $3.200000000e+01, v3;
	[tilespmem:s1+$0x8250] =	vst v7  }
.Ltmp1:
0xc7: {  	s17 =	sand.u32 $0x380, s17;
	s15 =	sor.u32 s16, s15;
	v4 =	vmul.f32 $3.200000000e+01, v4;
	v7 =	vld [tilespmem:s0+$0x8250];
	[tilespmem:s1+$0x8260] =	vst v5;
	(pc) =	sbr.rel @p0 .LBB2_4-.Ltmp1, $4  }
0xc8: {  	s1 =	smov.u32 s0;
	v6 =	vmul.f32 $3.200000000e+01, v6;
	v5 =	vld [tilespmem:s0+$0x8260];
	[tilespmem:s0+$0x8270] =	vst v3;
	s0 =	sor.u32 s17, s15  }
0xc9: {  	v3 =	vld [tilespmem:s0+$0x8270];
	[tilespmem:s1+$0x8200] =	vst v4;
	v10 =	vmul.f32 $3.200000000e+01, v10  }
0xca: {  	v4 =	vld [tilespmem:s0+$0x8200];
	[tilespmem:s1+$0x8210] =	vst v6;
	v9 =	vmul.f32 $3.200000000e+01, v9  }
0xcb: {  	v6 =	vld [tilespmem:s0+$0x8210];
	[tilespmem:s1+$0x8220] =	vst v10;
	v8 =	vmul.f32 $3.200000000e+01, v8  }
0xcc: {  	v10 =	vld [tilespmem:s0+$0x8220];
	[tilespmem:s1+$0x8230] =	vst v9;
	v7 =	vmul.f32 $3.200000000e+01, v7  }
0xcd: {  	v57 =	vld [tilespmem:s0+$0x8230];
	[tilespmem:s1+$0x8240] =	vst v8;
	v5 =	vmul.f32 $3.200000000e+01, v5  }
0xce: {  	v58 =	vld [tilespmem:s0+$0x8240];
	v3 =	vmul.f32 $3.200000000e+01, v3;
	[tilespmem:s1+$0x8250] =	vst v7  }
0xcf: {  	v59 =	vld [tilespmem:s0+$0x8250];
	v4 =	vmul.f32 $3.200000000e+01, v4;
	[tilespmem:s1+$0x8260] =	vst v5  }
0xd0: {  	v61 =	vld [tilespmem:s0+$0x8260];
	v60 =	vmul.f32 $3.200000000e+01, v6;
	[tilespmem:s0+$0x8270] =	vst v3  }
0xd1: {  	[tilespmem:s0+$0x8200] =	vst v4;
	v3 =	vmul.f32 $3.200000000e+01, v10  }
0xd2: {  	v62 =	vmul.f32 $3.200000000e+01, v57;
	[tilespmem:s0+$0x8210] =	vst v60  }
0xd3: {  	[tilespmem:s0+$0x8220] =	vst v3;
	v3 =	vmul.f32 $3.200000000e+01, v58  }
0xd4: {  	v63 =	vmul.f32 $3.200000000e+01, v59;
	[tilespmem:s0+$0x8230] =	vst v62  }
0xd5: {  	[tilespmem:s0+$0x8240] =	vst v3;
	v3 =	vmul.f32 $3.200000000e+01, v61  }
0xd6: {  	[tilespmem:s0+$0x8250] =	vst v63  }
0xd7: {  	s28 =	simm.s32 $0x0;
	s30 =	simm.s32 $0x0;
	[tilespmem:s0+$0x8260] =	vst v3  }
0xd8: {  	[hbm4b:s9+s28] =	stream.linear.scatter [tilespmem:s29], [sflag:$0x4], $0x8000, $0x38;
	[tilespmem:$0x18200] =	vst v63  }
.LBB2_6:
0xd9: {  	s0 =	sshll.u32 s30, $0x1  }
0xda: {  	_ =	swait.ge [sflag:s23], $0x8000;
	s31 =	sadd.s32 $0x3, s0  }
0xdb: {  	[sflag:s23] =	ssyncset.done $0x0;
	s1 =	sshll.u32 s31, $0x5  }
0xdc: {  	[sflag:s23] =	ssyncadd.s32 $0xFFFF8000;
	s13 =	sand.u32 $0x3FFFFFE0, s1  }
0xdd: {  	v3 =	vld [tilespmem:s13+$0x0];
	_ =	sdelay $0x3  }
0xde: {  	s15 =	smul.u32 $0x156, s30  }
0xdf: {  	v4 =	vshll.u32 v3, $0x3  }
0xe0: {  	s1 =	sadd.s32 $0x201, s15;
	v3 =	vand.u32 $0x7, v3;
	v4 =	vand.u32 $0xFFFFFFC0, v4  }
0xe1: {  	s1 =	sshrl.u32 s1, $0x9;
	v3 =	vor.u32 v3, v4  }
0xe2: {  	s1 =	sand.u32 $0x7F, s1;
	v4 =	vperm.xlane v3, v0  }
0xe3: {  	s1 =	smul.u32 $0x3, s1  }
0xe4: {  	v4 =	vadd.s32 v1, v4  }
0xe5: {  	s1 =	ssub.s32 s31, s1  }
0xe6: {  	s1 =	sand.u32 $0xFF, s1  }
0xe7: {  	s14 =	sshll.u32 s1, $0xF  }
0xe8: {  	s1 =	sor.u32 $0x200, s14  }
0xe9: {  	[tilespmem:s1], [sflag:$0x2] =	stream.indirect_vreg.gather [hbm4b:s2+s28], $0x80, v4, vm0, $0xb8;
	[tilespmem:$0x18200] =	vst v63  }
0xea: {  	s15 =	sor.u32 $0xA00, s14;
	v3 =	vperm.xlane v3, v2  }
0xeb: {  	[tilespmem:s15], [sflag:$0x2] =	stream.indirect_vreg.gather [hbm4b:s5+s28], $0x80, v4, vm0, $0xb8;
	[tilespmem:$0x18200] =	vst v63  }
0xec: {  	s16 =	sor.u32 $0x1200, s14;
	v3 =	vadd.s32 v1, v3  }
0xed: {  	[tilespmem:s16], [sflag:$0x2] =	stream.indirect_vreg.gather [hbm4b:s6+s28], $0x80, v4, vm0, $0xb8;
	[tilespmem:$0x18200] =	vst v63  }
0xee: {  	s17 =	sor.u32 $0x1A00, s14  }
0xef: {  	[tilespmem:s17], [sflag:$0x2] =	stream.indirect_vreg.gather [hbm4b:s8+s28], $0x80, v4, vm0, $0xb8;
	[tilespmem:$0x18200] =	vst v63  }
0xf0: {  	s18 =	sor.u32 $0x2200, s14  }
0xf1: {  	[tilespmem:s18], [sflag:$0x2] =	stream.indirect_vreg.gather [hbm4b:s2+s28], $0x80, v3, vm0, $0xb8;
	[tilespmem:$0x18200] =	vst v63  }
0xf2: {  	s19 =	sor.u32 $0x2A00, s14  }
0xf3: {  	[tilespmem:s19], [sflag:$0x2] =	stream.indirect_vreg.gather [hbm4b:s5+s28], $0x80, v3, vm0, $0xb8;
	[tilespmem:$0x18200] =	vst v63  }
0xf4: {  	s20 =	sor.u32 $0x3200, s14  }
0xf5: {  	[tilespmem:s20], [sflag:$0x2] =	stream.indirect_vreg.gather [hbm4b:s6+s28], $0x80, v3, vm0, $0xb8;
	[tilespmem:$0x18200] =	vst v63  }
0xf6: {  	s21 =	sor.u32 $0x3A00, s14  }
0xf7: {  	[tilespmem:s21], [sflag:$0x2] =	stream.indirect_vreg.gather [hbm4b:s8+s28], $0x80, v3, vm0, $0xb8;
	[tilespmem:$0x18200] =	vst v63  }
0xf8: {  	v3 =	vld [tilespmem:s13+$0x10];
	_ =	sdelay $0x4  }
0xf9: {  	v4 =	vshll.u32 v3, $0x3  }
0xfa: {  	v3 =	vand.u32 $0x7, v3;
	v4 =	vand.u32 $0xFFFFFFC0, v4  }
0xfb: {  	v3 =	vor.u32 v3, v4  }
0xfc: {  	v4 =	vperm.xlane v3, v0;
	_ =	sdelay $0x1  }
0xfd: {  	v4 =	vadd.s32 v1, v4;
	_ =	sdelay $0x3  }
0xfe: {  	s15 =	sor.u32 $0x4200, s14  }
0xff: {  	[tilespmem:s15], [sflag:$0x2] =	stream.indirect_vreg.gather [hbm4b:s2+s28], $0x80, v4, vm0, $0xb8;
	[tilespmem:$0x18200] =	vst v63  }
0x100: {  	s16 =	sor.u32 $0x4A00, s14;
	v3 =	vperm.xlane v3, v2  }
0x101: {  	[tilespmem:s16], [sflag:$0x2] =	stream.indirect_vreg.gather [hbm4b:s5+s28], $0x80, v4, vm0, $0xb8;
	[tilespmem:$0x18200] =	vst v63  }
0x102: {  	s17 =	sor.u32 $0x5200, s14;
	s13 =	sadd.s32 $0x2, s0;
	v3 =	vadd.s32 v1, v3  }
0x103: {  	[tilespmem:s17], [sflag:$0x2] =	stream.indirect_vreg.gather [hbm4b:s6+s28], $0x80, v4, vm0, $0xb8;
	[tilespmem:$0x18200] =	vst v63  }
0x104: {  	s18 =	sor.u32 $0x5A00, s14;
	s16 =	smul.u32 $0xAB, s13  }
0x105: {  	[tilespmem:s18], [sflag:$0x2] =	stream.indirect_vreg.gather [hbm4b:s8+s28], $0x80, v4, vm0, $0xb8;
	[tilespmem:$0x18200] =	vst v63  }
0x106: {  	s19 =	sor.u32 $0x6200, s14;
	s17 =	sshrl.u32 s16, $0x9  }
0x107: {  	[tilespmem:s19], [sflag:$0x2] =	stream.indirect_vreg.gather [hbm4b:s2+s28], $0x80, v3, vm0, $0xb8;
	[tilespmem:$0x18200] =	vst v63  }
0x108: {  	s20 =	sor.u32 $0x6A00, s14;
	s15 =	sand.u32 $0x7F, s17  }
0x109: {  	[tilespmem:s20], [sflag:$0x2] =	stream.indirect_vreg.gather [hbm4b:s5+s28], $0x80, v3, vm0, $0xb8;
	[tilespmem:$0x18200] =	vst v63  }
0x10a: {  	s21 =	sor.u32 $0x7200, s14;
	s15 =	smul.u32 $0x3, s15  }
0x10b: {  	[tilespmem:s21], [sflag:$0x2] =	stream.indirect_vreg.gather [hbm4b:s6+s28], $0x80, v3, vm0, $0xb8;
	[tilespmem:$0x18200] =	vst v63  }
0x10c: {  	s14 =	sor.u32 $0x7A00, s14;
	s18 =	ssub.s32 s13, s15  }
0x10d: {  	[tilespmem:s14], [sflag:$0x2] =	stream.indirect_vreg.gather [hbm4b:s8+s28], $0x80, v3, vm0, $0xb8;
	[tilespmem:$0x18200] =	vst v63  }
0x10e: {  	s14 =	sand.u32 $0xFF, s18  }
0x10f: {  	s19 =	simm.s32 $0x0;
	s14 =	sshll.u32 s14, $0xF  }
0x110: {  	s17 =	simm.s32 $0x0;
	s15 =	sand.u32 $0x6000, s19;
	s14 =	sor.u32 $0x200, s14  }
0x111: {  	s20 =	sand.u32 $0x1C00, s28;
	_ =	swait.ge [sflag:s24], $0x8000;
	s15 =	sadd.s32 s15, s14  }
0x112: {  	s17 =	sand.u32 $0x380, s17;
	[sflag:s24] =	ssyncset.done $0x0;
	s15 =	sadd.s32 s20, s15  }
0x113: {  	[sflag:s24] =	ssyncadd.s32 $0xFFFF8000;
	s15 =	sadd.s32 s17, s15  }
0x114: {  	v4 =	vld [tilespmem:s15+$0x70]  }
0x115: {  	v5 =	vld [tilespmem:s15+$0x0]  }
0x116: {  	v7 =	vld [tilespmem:s15+$0x10]  }
0x117: {  	s21 =	simm.s32 $0x80;
	v8 =	vld [tilespmem:s15+$0x20]  }
0x118: {  	s16 =	sand.u32 $0x6000, s21;
	s17 =	simm.s32 $0x400;
	v10 =	vld [tilespmem:s15+$0x30]  }
0x119: {  	s19 =	simm.s32 $0x10;
	s16 =	sadd.s32 s16, s14;
	s18 =	sand.u32 $0x1C00, s17;
	v3 =	vld [tilespmem:s15+$0x40];
	v4 =	vmul.f32 $3.200000000e+01, v4  }
0x11a: {  	s19 =	sand.u32 $0x380, s19;
	v6 =	vld [tilespmem:s15+$0x50];
	s16 =	sadd.s32 s18, s16;
	v5 =	vmul.f32 $3.200000000e+01, v5  }
0x11b: {  	s16 =	sadd.s32 s19, s16;
	v11 =	vmul.f32 $3.200000000e+01, v7;
	v7 =	vld [tilespmem:s15+$0x60];
	[tilespmem:s15+$0x70] =	vst v4  }
0x11c: {  	v9 =	vmul.f32 $3.200000000e+01, v8;
	v4 =	vld [tilespmem:s16+$0x70];
	[tilespmem:s15+$0x0] =	vst v5  }
0x11d: {  	s18 =	simm.s32 $0x8;
	v8 =	vmul.f32 $3.200000000e+01, v10;
	v5 =	vld [tilespmem:s16+$0x0];
	[tilespmem:s15+$0x10] =	vst v11  }
.LBB2_7:
0x11e: {  	s18 =	sadd.s32 $0x8, s18;
	v10 =	vld [tilespmem:s16+$0x10];
	[tilespmem:s15+$0x20] =	vst v9;
	v3 =	vmul.f32 $3.200000000e+01, v3  }
0x11f: {  	s17 =	sadd.s32 $0x400, s17;
	s19 =	sshll.u32 s18, $0x4;
	p0 =	slt.u32 s18, $0x7F8;
	v9 =	vld [tilespmem:s16+$0x20];
	[tilespmem:s15+$0x30] =	vst v8;
	v6 =	vmul.f32 $3.200000000e+01, v6  }
0x120: {  	s20 =	sand.u32 $0x1C00, s17;
	s19 =	sand.u32 $0x6000, s19;
	v8 =	vld [tilespmem:s16+$0x30];
	[tilespmem:s15+$0x40] =	vst v3;
	v7 =	vmul.f32 $3.200000000e+01, v7  }
.Ltmp2:
0x121: {  	s21 =	sshll.u32 s18, $0x1;
	s19 =	sadd.s32 s19, s14;
	v3 =	vld [tilespmem:s16+$0x40];
	v4 =	vmul.f32 $3.200000000e+01, v4;
	[tilespmem:s15+$0x50] =	vst v6;
	(pc) =	sbr.rel @p0 .LBB2_7-.Ltmp2, $4  }
0x122: {  	s21 =	sand.u32 $0x380, s21;
	s19 =	sadd.s32 s20, s19;
	v5 =	vmul.f32 $3.200000000e+01, v5;
	v6 =	vld [tilespmem:s16+$0x50];
	[tilespmem:s15+$0x60] =	vst v7;
	s15 =	smov.u32 s16  }
0x123: {  	s16 =	sadd.s32 s21, s19;
	v10 =	vmul.f32 $3.200000000e+01, v10;
	v7 =	vld [tilespmem:s15+$0x60];
	[tilespmem:s15+$0x70] =	vst v4  }
0x124: {  	v4 =	vld [tilespmem:s16+$0x70];
	[tilespmem:s15+$0x0] =	vst v5;
	v9 =	vmul.f32 $3.200000000e+01, v9  }
0x125: {  	v5 =	vld [tilespmem:s16+$0x0];
	[tilespmem:s15+$0x10] =	vst v10;
	v8 =	vmul.f32 $3.200000000e+01, v8  }
0x126: {  	v10 =	vld [tilespmem:s16+$0x10];
	[tilespmem:s15+$0x20] =	vst v9;
	v3 =	vmul.f32 $3.200000000e+01, v3  }
0x127: {  	v9 =	vld [tilespmem:s16+$0x20];
	[tilespmem:s15+$0x30] =	vst v8;
	v6 =	vmul.f32 $3.200000000e+01, v6  }
0x128: {  	v8 =	vld [tilespmem:s16+$0x30];
	[tilespmem:s15+$0x40] =	vst v3;
	v3 =	vmul.f32 $3.200000000e+01, v7  }
0x129: {  	v7 =	vld [tilespmem:s16+$0x40];
	v4 =	vmul.f32 $3.200000000e+01, v4;
	[tilespmem:s15+$0x50] =	vst v6  }
0x12a: {  	v6 =	vld [tilespmem:s16+$0x50];
	v5 =	vmul.f32 $3.200000000e+01, v5;
	[tilespmem:s15+$0x60] =	vst v3  }
0x12b: {  	v3 =	vmul.f32 $3.200000000e+01, v10;
	v10 =	vld [tilespmem:s16+$0x60];
	[tilespmem:s16+$0x70] =	vst v4  }
0x12c: {  	v4 =	vmul.f32 $3.200000000e+01, v9;
	[tilespmem:s16+$0x0] =	vst v5  }
0x12d: {  	[tilespmem:s16+$0x10] =	vst v3;
	v3 =	vmul.f32 $3.200000000e+01, v8  }
0x12e: {  	[tilespmem:s16+$0x20] =	vst v4;
	v4 =	vmul.f32 $3.200000000e+01, v7  }
0x12f: {  	[tilespmem:s16+$0x30] =	vst v3;
	v3 =	vmul.f32 $3.200000000e+01, v6  }
0x130: {  	[tilespmem:s16+$0x40] =	vst v4;
	v4 =	vmul.f32 $3.200000000e+01, v10  }
0x131: {  	s13 =	sshll.u32 s13, $0xC;
	[tilespmem:s16+$0x50] =	vst v3  }
0x132: {  	p0 =	seq.s32 s30, $0x6;
	s13 =	sadd.s32 s13, s7;
	[tilespmem:s16+$0x60] =	vst v4  }
0x133: {  	[hbm4b:s13+s3] =	stream.linear.scatter [tilespmem:s14], [sflag:$0x3], $0x8000, $0x38;
	[tilespmem:$0x18200] =	vst v63  }
0x134: {  	s0 =	sadd.s32 @!p0 $0x4, s0;
	_ =	swait.ge [sflag:s25], $0x8000  }
0x135: {  	s13 =	sshll.u32 @!p0 s0, $0x5;
	[sflag:s25] =	ssyncset.done $0x0  }
0x136: {  	s13 =	sand.u32 @!p0 $0x3FFFFFE0, s13;
	[sflag:s25] =	ssyncadd.s32 $0xFFFF8000  }
0x137: {  	v3 =	vld @!p0 [tilespmem:s13+$0x0];
	_ =	sdelay $0x4  }
0x138: {  	v4 =	vshll.u32 @!p0 v3, $0x3  }
0x139: {  	v5 =	vlaneseq.u32 @!p0;
	v3 =	vand.u32 @!p0 $0x7, v3;
	v4 =	vand.u32 @!p0 $0xFFFFFFC0, v4  }
0x13a: {  	v6 =	vshrl.u32 @!p0 v5, $0x3;
	v3 =	vor.u32 @!p0 v3, v4;
	v4 =	vand.u32 @!p0 $0x7, v5  }
0x13b: {  	v6 =	vmul.u32 @!p0 $0x8, v6;
	s14 =	smulhi.u32 @!p0 $0x55555556, s0;
	v7 =	vperm.xlane @!p0 v3, v4;
	_ =	sdelay $0x1  }
0x13c: {  	s14 =	smul.u32 @!p0 $0x3, s14;
	v7 =	vadd.s32 @!p0 v6, v7;
	_ =	sdelay $0x1  }
0x13d: {  	s0 =	ssub.s32 @!p0 s0, s14  }
0x13e: {  	s0 =	sshll.u32 @!p0 s0, $0xF  }
0x13f: {  	vm1 =	vmmov @!p0 $0xffff;
	s15 =	simm.s32 @!p0 $0x0;
	s14 =	sor.u32 @!p0 $0x200, s0  }
0x140: {  	v5 =	vor.u32 @!p0 $0x8, v5;
	[tilespmem:s14], [sflag:$0x1] =	stream.indirect_vreg.gather @!p0 [hbm4b:s2+s15], $0x80, v7, vm1, $0xb8;
	[tilespmem:$0x18200] =	vst v63  }
0x141: {  	v3 =	vperm.xlane @!p0 v3, v5;
	s14 =	sor.u32 @!p0 $0xA00, s0  }
0x142: {  	[tilespmem:s14], [sflag:$0x1] =	stream.indirect_vreg.gather @!p0 [hbm4b:s5+s15], $0x80, v7, vm1, $0xb8;
	[tilespmem:$0x18200] =	vst v63  }
0x143: {  	v3 =	vadd.s32 @!p0 v6, v3;
	s14 =	sor.u32 @!p0 $0x1200, s0  }
0x144: {  	[tilespmem:s14], [sflag:$0x1] =	stream.indirect_vreg.gather @!p0 [hbm4b:s6+s15], $0x80, v7, vm1, $0xb8;
	[tilespmem:$0x18200] =	vst v63  }
0x145: {  	s14 =	sor.u32 @!p0 $0x1A00, s0  }
0x146: {  	[tilespmem:s14], [sflag:$0x1] =	stream.indirect_vreg.gather @!p0 [hbm4b:s8+s15], $0x80, v7, vm1, $0xb8;
	[tilespmem:$0x18200] =	vst v63  }
0x147: {  	s14 =	sor.u32 @!p0 $0x2200, s0  }
0x148: {  	[tilespmem:s14], [sflag:$0x1] =	stream.indirect_vreg.gather @!p0 [hbm4b:s2+s15], $0x80, v3, vm1, $0xb8;
	[tilespmem:$0x18200] =	vst v63  }
0x149: {  	s14 =	sor.u32 @!p0 $0x2A00, s0  }
0x14a: {  	[tilespmem:s14], [sflag:$0x1] =	stream.indirect_vreg.gather @!p0 [hbm4b:s5+s15], $0x80, v3, vm1, $0xb8;
	[tilespmem:$0x18200] =	vst v63  }
0x14b: {  	s14 =	sor.u32 @!p0 $0x3200, s0  }
0x14c: {  	[tilespmem:s14], [sflag:$0x1] =	stream.indirect_vreg.gather @!p0 [hbm4b:s6+s15], $0x80, v3, vm1, $0xb8;
	[tilespmem:$0x18200] =	vst v63  }
0x14d: {  	s14 =	sor.u32 @!p0 $0x3A00, s0  }
0x14e: {  	[tilespmem:s14], [sflag:$0x1] =	stream.indirect_vreg.gather @!p0 [hbm4b:s8+s15], $0x80, v3, vm1, $0xb8;
	[tilespmem:$0x18200] =	vst v63  }
0x14f: {  	v3 =	vld @!p0 [tilespmem:s13+$0x10];
	_ =	sdelay $0x4  }
0x150: {  	v7 =	vshll.u32 @!p0 v3, $0x3  }
0x151: {  	v3 =	vand.u32 @!p0 $0x7, v3;
	v7 =	vand.u32 @!p0 $0xFFFFFFC0, v7  }
0x152: {  	v3 =	vor.u32 @!p0 v3, v7  }
0x153: {  	v4 =	vperm.xlane @!p0 v3, v4;
	_ =	sdelay $0x1  }
0x154: {  	v4 =	vadd.s32 @!p0 v6, v4;
	_ =	sdelay $0x3  }
0x155: {  	s13 =	sor.u32 @!p0 $0x4200, s0  }
0x156: {  	[tilespmem:s13], [sflag:$0x1] =	stream.indirect_vreg.gather @!p0 [hbm4b:s2+s15], $0x80, v4, vm1, $0xb8;
	[tilespmem:$0x18200] =	vst v63  }
0x157: {  	v3 =	vperm.xlane @!p0 v3, v5;
	s13 =	sor.u32 @!p0 $0x4A00, s0  }
0x158: {  	[tilespmem:s13], [sflag:$0x1] =	stream.indirect_vreg.gather @!p0 [hbm4b:s5+s15], $0x80, v4, vm1, $0xb8;
	[tilespmem:$0x18200] =	vst v63  }
0x159: {  	v3 =	vadd.s32 @!p0 v6, v3;
	s13 =	sor.u32 @!p0 $0x5200, s0  }
0x15a: {  	[tilespmem:s13], [sflag:$0x1] =	stream.indirect_vreg.gather @!p0 [hbm4b:s6+s15], $0x80, v4, vm1, $0xb8;
	[tilespmem:$0x18200] =	vst v63  }
0x15b: {  	s13 =	sor.u32 @!p0 $0x5A00, s0  }
0x15c: {  	[tilespmem:s13], [sflag:$0x1] =	stream.indirect_vreg.gather @!p0 [hbm4b:s8+s15], $0x80, v4, vm1, $0xb8;
	[tilespmem:$0x18200] =	vst v63  }
0x15d: {  	s13 =	sor.u32 @!p0 $0x6200, s0  }
0x15e: {  	[tilespmem:s13], [sflag:$0x1] =	stream.indirect_vreg.gather @!p0 [hbm4b:s2+s15], $0x80, v3, vm1, $0xb8;
	[tilespmem:$0x18200] =	vst v63  }
0x15f: {  	s13 =	sor.u32 @!p0 $0x6A00, s0  }
0x160: {  	[tilespmem:s13], [sflag:$0x1] =	stream.indirect_vreg.gather @!p0 [hbm4b:s5+s15], $0x80, v3, vm1, $0xb8;
	[tilespmem:$0x18200] =	vst v63  }
0x161: {  	s13 =	sor.u32 @!p0 $0x7200, s0  }
0x162: {  	[tilespmem:s13], [sflag:$0x1] =	stream.indirect_vreg.gather @!p0 [hbm4b:s6+s15], $0x80, v3, vm1, $0xb8;
	[tilespmem:$0x18200] =	vst v63  }
0x163: {  	s16 =	simm.s32 $0x0;
	s0 =	sor.u32 @!p0 $0x7A00, s0  }
0x164: {  	[tilespmem:s0], [sflag:$0x1] =	stream.indirect_vreg.gather @!p0 [hbm4b:s8+s15], $0x80, v3, vm1, $0xb8;
	[tilespmem:$0x18200] =	vst v63  }
0x165: {  	s17 =	simm.s32 $0x0;
	s18 =	simm.s32 $0x0;
	s0 =	sand.u32 $0x6000, s16  }
0x166: {  	s13 =	sand.u32 $0x1C00, s17;
	_ =	swait.ge [sflag:s22], $0x8000;
	s0 =	sadd.s32 s0, s1  }
0x167: {  	s14 =	sand.u32 $0x380, s18;
	[sflag:s22] =	ssyncset.done $0x0;
	s0 =	sadd.s32 s13, s0  }
0x168: {  	[sflag:s22] =	ssyncadd.s32 $0xFFFF8000;
	s0 =	sadd.s32 s14, s0  }
0x169: {  	v4 =	vld [tilespmem:s0+$0x70]  }
0x16a: {  	v5 =	vld [tilespmem:s0+$0x0]  }
0x16b: {  	v7 =	vld [tilespmem:s0+$0x10]  }
0x16c: {  	s19 =	simm.s32 $0x80;
	v8 =	vld [tilespmem:s0+$0x20]  }
0x16d: {  	s13 =	sand.u32 $0x6000, s19;
	s14 =	simm.s32 $0x400;
	v10 =	vld [tilespmem:s0+$0x30]  }
0x16e: {  	s21 =	simm.s32 $0x10;
	s13 =	sadd.s32 s13, s1;
	s20 =	sand.u32 $0x1C00, s14;
	v3 =	vld [tilespmem:s0+$0x40];
	v4 =	vmul.f32 $3.200000000e+01, v4  }
0x16f: {  	s16 =	sand.u32 $0x380, s21;
	v6 =	vld [tilespmem:s0+$0x50];
	s13 =	sadd.s32 s20, s13;
	v5 =	vmul.f32 $3.200000000e+01, v5  }
0x170: {  	s13 =	sadd.s32 s16, s13;
	v11 =	vmul.f32 $3.200000000e+01, v7;
	v7 =	vld [tilespmem:s0+$0x60];
	[tilespmem:s0+$0x70] =	vst v4  }
0x171: {  	v9 =	vmul.f32 $3.200000000e+01, v8;
	v4 =	vld [tilespmem:s13+$0x70];
	[tilespmem:s0+$0x0] =	vst v5  }
0x172: {  	s15 =	simm.s32 $0x8;
	v8 =	vmul.f32 $3.200000000e+01, v10;
	v5 =	vld [tilespmem:s13+$0x0];
	[tilespmem:s0+$0x10] =	vst v11  }
.LBB2_9:
0x173: {  	s15 =	sadd.s32 $0x8, s15;
	v10 =	vld [tilespmem:s13+$0x10];
	[tilespmem:s0+$0x20] =	vst v9;
	v3 =	vmul.f32 $3.200000000e+01, v3  }
0x174: {  	s14 =	sadd.s32 $0x400, s14;
	s16 =	sshll.u32 s15, $0x4;
	p0 =	slt.u32 s15, $0x7F8;
	v9 =	vld [tilespmem:s13+$0x20];
	[tilespmem:s0+$0x30] =	vst v8;
	v6 =	vmul.f32 $3.200000000e+01, v6  }
0x175: {  	s17 =	sand.u32 $0x1C00, s14;
	s16 =	sand.u32 $0x6000, s16;
	v8 =	vld [tilespmem:s13+$0x30];
	[tilespmem:s0+$0x40] =	vst v3;
	v7 =	vmul.f32 $3.200000000e+01, v7  }
.Ltmp3:
0x176: {  	s18 =	sshll.u32 s15, $0x1;
	s16 =	sadd.s32 s16, s1;
	v3 =	vld [tilespmem:s13+$0x40];
	v4 =	vmul.f32 $3.200000000e+01, v4;
	[tilespmem:s0+$0x50] =	vst v6;
	(pc) =	sbr.rel @p0 .LBB2_9-.Ltmp3, $4  }
0x177: {  	s18 =	sand.u32 $0x380, s18;
	s16 =	sadd.s32 s17, s16;
	v5 =	vmul.f32 $3.200000000e+01, v5;
	v6 =	vld [tilespmem:s13+$0x50];
	[tilespmem:s0+$0x60] =	vst v7;
	s0 =	smov.u32 s13  }
0x178: {  	s13 =	sadd.s32 s18, s16;
	v10 =	vmul.f32 $3.200000000e+01, v10;
	v7 =	vld [tilespmem:s0+$0x60];
	[tilespmem:s0+$0x70] =	vst v4  }
0x179: {  	v4 =	vld [tilespmem:s13+$0x70];
	[tilespmem:s0+$0x0] =	vst v5;
	v9 =	vmul.f32 $3.200000000e+01, v9  }
0x17a: {  	v5 =	vld [tilespmem:s13+$0x0];
	[tilespmem:s0+$0x10] =	vst v10;
	v8 =	vmul.f32 $3.200000000e+01, v8  }
0x17b: {  	v10 =	vld [tilespmem:s13+$0x10];
	[tilespmem:s0+$0x20] =	vst v9;
	v3 =	vmul.f32 $3.200000000e+01, v3  }
0x17c: {  	v56 =	vld [tilespmem:s13+$0x20];
	[tilespmem:s0+$0x30] =	vst v8;
	v6 =	vmul.f32 $3.200000000e+01, v6  }
0x17d: {  	v58 =	vld [tilespmem:s13+$0x40];
	[tilespmem:s0+$0x40] =	vst v3;
	v3 =	vmul.f32 $3.200000000e+01, v7  }
0x17e: {  	v57 =	vld [tilespmem:s13+$0x30];
	v4 =	vmul.f32 $3.200000000e+01, v4;
	[tilespmem:s0+$0x50] =	vst v6  }
0x17f: {  	v60 =	vld [tilespmem:s13+$0x60];
	v5 =	vmul.f32 $3.200000000e+01, v5;
	[tilespmem:s0+$0x60] =	vst v3  }
0x180: {  	v59 =	vld [tilespmem:s13+$0x50];
	v3 =	vmul.f32 $3.200000000e+01, v10;
	[tilespmem:s13+$0x70] =	vst v4  }
0x181: {  	v61 =	vmul.f32 $3.200000000e+01, v56;
	[tilespmem:s13+$0x0] =	vst v5  }
0x182: {  	s30 =	sadd.s32 $0x1, s30;
	v62 =	vmul.f32 $3.200000000e+01, v58;
	[tilespmem:s13+$0x10] =	vst v3  }
0x183: {  	p0 =	sne.s32 s30, $0x7;
	v3 =	vmul.f32 $3.200000000e+01, v57;
	[tilespmem:s13+$0x20] =	vst v61  }
.Ltmp4:
0x184: {  	v63 =	vmul.f32 $3.200000000e+01, v60;
	[tilespmem:s13+$0x40] =	vst v62;
	(pc) =	sbr.rel @p0 .LBB2_6-.Ltmp4, $4  }
0x185: {  	[tilespmem:s13+$0x30] =	vst v3;
	v3 =	vmul.f32 $3.200000000e+01, v59  }
0x186: {  	s31 =	sshll.u32 s31, $0xC;
	[tilespmem:s13+$0x60] =	vst v63  }
0x187: {  	s0 =	sadd.s32 s31, s7;
	[tilespmem:s13+$0x50] =	vst v3  }
0x188: {  	[hbm4b:s0+s3] =	stream.linear.scatter [tilespmem:s1], [sflag:$0x4], $0x8000, $0x38;
	[tilespmem:$0x18200] =	vst v63  }
0x189: {  	s26 =	sadd.s32 $0x1, s26  }
0x18a: {  	_ =	swait.ge [sflag:s23], $0x8000;
	p0 =	sne.s32 s26, s10  }
.Ltmp5:
0x18b: {  	[sflag:s23] =	ssyncset.done $0x0;
	(pc) =	sbr.rel @p0 .LBB2_1-.Ltmp5, $4  }
0x18c: {  	[sflag:s23] =	ssyncadd.s32 $0xFFFF8000  }
0x18d: {  	_ =	swait.ge [sflag:s25], $0x8000  }
0x18e: {  	[sflag:s25] =	ssyncset.done $0x0  }
0x18f: {  	[sflag:s25] =	ssyncadd.s32 $0xFFFF8000  }
0x190: {  	_ =	sfence.sel $0x180000  }
0x191: {  	[bflag:$0x0] =	sbarrier.arrive $0xFFFF  }
0x192: {  	_ =	strace $0x90000047  }
0x193: {  	s0 =	stileid.u32;
	[bflag:$0x2] =	sbarrier.arrive $0xFFFF  }
0x194: {  	p0 =	sne.s32 s0, $0x0;
	s0 =	rddreg [dreg:$0x3]  }
0x195: {  	s0 =	sadd.s32 @!p0 $0x100000, s0  }
0x196: {  	[sflag:s0] =	ssyncadd.tile.s32 @!p0 $0x1;
	_ =	shalt  }
.Lfunc_end2:
_tile_overlayer_lowered:
.L_overlay_start_2:
0x197: {  	(tag) =	ssettag $0x2  }
0x198: {  	s0 =	rddreg [dreg:$0x0];
	s2 =	stileid.u32  }
0x199: {  	s1 =	rddreg [dreg:$0x1];
	p0 =	sne.s32 s2, $0x0  }
0x19a: {  	s3 =	rddreg [dreg:$0x2];
	[bflag:$0x3] =	sbarrier.arrive $0xFFFF;
	s2 =	simm.s32 @!p0 $0x1C05  }
0x19b: {  	[timem:s3], [sflag:s2] =	dma.local @!p0 [hbm:s0], s1  }
0x19c: {  	s0 =	simm.s32 @!p0 $0x5  }
0x19d: {  	_ =	swait.ge @!p0 [sflag:s0], s1  }
0x19e: {  	s1 =	ssub.s32 @!p0 $0x0, s1;
	[sflag:s0] =	ssyncset.done @!p0 $0x0  }
0x19f: {  	[sflag:s0] =	ssyncadd.s32 @!p0 s1  }
0x1a0: {  	[bflag:$0x3] =	sbarrier.arrive $0xFFFF  }
0x1a1: {  	_ =	shalt  }

</sc_bundles>
